<compile_context>
chip_gen: v7x
topology: tpu7x:2x2x1
jax: 0.10.2.dev20260603
libtpu: 0.0.44.dev20260713+nightly
codegen_flags: <defaults>
</compile_context>

<pallas_src>
import functools

import jax
import jax.numpy as jnp
from jax import lax
from jax.experimental import pallas as pl
from jax.experimental.pallas import tpu as pltpu
from jax.experimental.pallas import tpu_sc as plsc

N = 10000
E = 320000
D = 128
H = 128
NC = 2
NS = 16
NP = 10240
HH = 64

CHUNK_A = 1024
CHUNK_B = 80

ET_A = 10240
NCH_A = ET_A // CHUNK_A
EP_A = ET_A * NC * NS

ET_B = E // NS
NCH_B = ET_B // CHUNK_B
EP_B = E

_MESH = dict(core_axis_name="c", subcore_axis_name="s", num_cores=NC,
             num_subcores=NS)



def _sync_agg(tbl_hbm, src_v, dst_v, rows_v, acc, sem, nch):

    def step(j, carry):
        pltpu.async_copy(tbl_hbm.at[src_v.at[j]], rows_v, sem).wait()
        pltpu.sync_copy(rows_v, acc.at[dst_v.at[j]], add=True)
        return carry

    lax.fori_loop(0, nch, step, 0, unroll=False)


def _sc_agg16_body(tbl_hbm, srcr_hbm, dstr_hbm, zer_hbm, out_hbm,
                   src_v, dst_v, rows_v, acc, semg):
    cid = lax.axis_index("c")
    sid = lax.axis_index("s")
    rpt = NP // NS
    r0 = sid * rpt
    pltpu.sync_copy(zer_hbm.at[pl.ds(r0, rpt)], acc.at[pl.ds(r0, rpt)])
    pltpu.sync_copy(srcr_hbm.at[cid, sid], src_v)
    pltpu.sync_copy(dstr_hbm.at[cid, sid], dst_v)
    plsc.subcore_barrier()
    _sync_agg(tbl_hbm, src_v, dst_v, rows_v, acc, semg, NCH_A)
    plsc.subcore_barrier()
    pltpu.sync_copy(acc.at[pl.ds(r0, rpt)], out_hbm.at[cid, pl.ds(r0, rpt)])


@functools.lru_cache(maxsize=None)
def _sc_agg16():
    return pl.kernel(
        _sc_agg16_body,
        out_type=jax.ShapeDtypeStruct((NC, NP, 16), jnp.float32),
        mesh=plsc.VectorSubcoreMesh(**_MESH),
        scratch_types=[
            pltpu.VMEM((NCH_A, CHUNK_A), jnp.int32),
            pltpu.VMEM((NCH_A, CHUNK_A), jnp.int32),
            pltpu.VMEM((CHUNK_A, 16), jnp.float32),
            pltpu.VMEM_SHARED((NP, 16), jnp.float32),
            pltpu.SemaphoreType.DMA,
        ],
        compiler_params=pltpu.CompilerParams(use_tc_tiling_on_sc=False),
    )


def _sc_agg_big_body(hsx_hbm, src2_hbm, dstp_hbm, zer_hbm, out_hbm,
                     src_v, dst_v, rows_v, acc, semg):
    cid = lax.axis_index("c")
    sid = lax.axis_index("s")
    rpt = NP // NS
    r0 = sid * rpt
    pltpu.sync_copy(zer_hbm.at[pl.ds(r0, rpt)], acc.at[pl.ds(r0, rpt)])
    pltpu.sync_copy(src2_hbm.at[cid, sid], src_v)
    pltpu.sync_copy(dstp_hbm.at[sid], dst_v)
    plsc.subcore_barrier()
    _sync_agg(hsx_hbm, src_v, dst_v, rows_v, acc, semg, NCH_B)
    plsc.subcore_barrier()
    pltpu.sync_copy(acc.at[pl.ds(r0, rpt)],
                    out_hbm.at[pl.ds(r0, rpt), pl.ds(cid * HH, HH)])


@functools.lru_cache(maxsize=None)
def _sc_agg_big():
    return pl.kernel(
        _sc_agg_big_body,
        out_type=jax.ShapeDtypeStruct((NP, 2 * HH), jnp.float32),
        mesh=plsc.VectorSubcoreMesh(**_MESH),
        scratch_types=[
            pltpu.VMEM((NCH_B, CHUNK_B), jnp.int32),
            pltpu.VMEM((NCH_B, CHUNK_B), jnp.int32),
            pltpu.VMEM((CHUNK_B, HH), jnp.float32),
            pltpu.VMEM_SHARED((NP, HH), jnp.float32),
            pltpu.SemaphoreType.DMA,
        ],
        compiler_params=pltpu.CompilerParams(use_tc_tiling_on_sc=False),
    )



def _tc1_body(degp, x, w1, sp, dis_o, hs1_o, src2_o):
    d = degp[...]
    deg = d[0][:N, 0:1] + d[1][:N, 0:1] + 1.0
    dis = 1.0 / jnp.sqrt(deg)
    dis_o[...] = dis
    h = jnp.dot(x[...], w1[...], preferred_element_type=jnp.float32)
    hs1_o[...] = h * dis
    srcm = sp[...]
    src2_o[0] = srcm * 2
    src2_o[1] = srcm * 2 + 1


_tc1 = pl.pallas_call(
    _tc1_body,
    out_shape=[
        jax.ShapeDtypeStruct((N, 1), jnp.float32),
        jax.ShapeDtypeStruct((N, H), jnp.float32),
        jax.ShapeDtypeStruct((NC, EP_B // 128, 128), jnp.int32),
    ],
)


def _tc_mid_body(agg, hs, dis, b, g, bt, wn, out, *, pad16):
    t = (agg[:N] + hs[...]) * dis[...] + b[...][None, :]
    mu = jnp.mean(t, axis=0, keepdims=True)
    tc = t - mu
    var = jnp.mean(tc * tc, axis=0, keepdims=True)
    y = g[...][None, :] * tc / jnp.sqrt(var + 1e-5) + bt[...][None, :]
    z = jnp.where(y >= 0, y, 0.01 * y)
    hn = jnp.dot(z, wn[...], preferred_element_type=jnp.float32) * dis[...]
    if pad16:
        col = lax.broadcasted_iota(jnp.int32, (1, 16), 1)
        out[:N] = jnp.where(col == 0, hn, 0.0)
        out[N:] = jnp.zeros((NP - N, 16), jnp.float32)
    else:
        out[...] = hn


_tc_mid128 = pl.pallas_call(
    functools.partial(_tc_mid_body, pad16=False),
    out_shape=jax.ShapeDtypeStruct((N, H), jnp.float32),
)

_tc_mid16 = pl.pallas_call(
    functools.partial(_tc_mid_body, pad16=True),
    out_shape=jax.ShapeDtypeStruct((NP, 16), jnp.float32),
)


def _tc3_body(aggp, hs3, dis, b3, out):
    a = aggp[...]
    s = a[0][:N, 0:1] + a[1][:N, 0:1] + hs3[:N, 0:1]
    out[...] = s * dis[...] + b3[...]


_tc3 = pl.pallas_call(
    _tc3_body,
    out_shape=jax.ShapeDtypeStruct((N, 1), jnp.float32),
)



def _pad_edges(v, per_real, per_pad, pad_val, shape):
    r = v.reshape(-1, per_real)
    p = jnp.full((r.shape[0], per_pad - per_real), pad_val, jnp.int32)
    return jnp.concatenate([r, p], axis=1).reshape(shape)


def kernel(x, edge_index, W1, b1, g1, bt1, W2, b2, g2, bt2, W3, b3):
    src = edge_index[0]
    dst = edge_index[1]

    padn = EP_A - E
    src_a = jnp.concatenate([src, jnp.zeros((padn,), jnp.int32)])
    dst_a = jnp.concatenate([dst, jnp.full((padn,), N, jnp.int32)])
    src_r16 = src_a.reshape(NC, NS, NCH_A, CHUNK_A)
    dst_r16 = dst_a.reshape(NC, NS, NCH_A, CHUNK_A)

    src_bp = src.reshape(EP_B // 128, 128)
    dst_bp = dst.reshape(NS, NCH_B, CHUNK_B)

    ones16 = jnp.ones((NP, 16), jnp.float32)
    zeros16 = jnp.zeros((NP, 16), jnp.float32)
    zeros64 = jnp.zeros((NP, HH), jnp.float32)

    degp = _sc_agg16()(ones16, dst_r16, dst_r16, zeros16)

    dis, hs1, src2m = _tc1(degp, x, W1, src_bp)
    src2 = src2m.reshape(NC, NS, NCH_B, CHUNK_B)

    agg1 = _sc_agg_big()(hs1.reshape(2 * N, HH), src2, dst_bp, zeros64)
    hs2 = _tc_mid128(agg1, hs1, dis, b1, g1, bt1, W2)

    agg2 = _sc_agg_big()(hs2.reshape(2 * N, HH), src2, dst_bp, zeros64)
    hs3p = _tc_mid16(agg2, hs2, dis, b2, g2, bt2, W3)

    agg3 = _sc_agg16()(hs3p, src_r16, dst_r16, zeros16)
    return _tc3(agg3, hs3p, dis, b3)

# --- scband reference (transcript-rebuilt; emitter-appended) ---
"""Pipeline reference for scband-gcnregressor-65970697667357 (READ-ONLY COPY).

The authoritative reference and input builder live on the scoring server;
editing this copy changes nothing except your own understanding.
"""

import jax, jax.numpy as jnp
import numpy as np

N = 10000
E = 320000
D = 128
H = 128
O = 1


def setup_inputs(seed: int = 0):
    key = jax.random.key(seed)
    ks = jax.random.split(key, 16)
    x = jax.random.normal(ks[0], (N, D), dtype=jnp.float32)
    edge_index = jax.random.randint(ks[1], (2, E), 0, N, dtype=jnp.int32)
    W1 = jax.random.normal(ks[2], (D, H), dtype=jnp.float32) * 0.05
    b1 = jnp.zeros((H,), dtype=jnp.float32)
    g1 = jnp.ones((H,), dtype=jnp.float32)
    bt1 = jnp.zeros((H,), dtype=jnp.float32)
    W2 = jax.random.normal(ks[3], (H, H), dtype=jnp.float32) * 0.05
    b2 = jnp.zeros((H,), dtype=jnp.float32)
    g2 = jnp.ones((H,), dtype=jnp.float32)
    bt2 = jnp.zeros((H,), dtype=jnp.float32)
    W3 = jax.random.normal(ks[4], (H, O), dtype=jnp.float32) * 0.05
    b3 = jnp.zeros((O,), dtype=jnp.float32)
    return {"x": x, "edge_index": edge_index, "W1": W1, "b1": b1, "g1": g1, "bt1": bt1,
            "W2": W2, "b2": b2, "g2": g2, "bt2": bt2, "W3": W3, "b3": b3}


def _gcn_conv(x, src, dst, norm, W, b):
    h = x @ W
    msg = h[src] * norm[:, None]
    out = jnp.zeros((x.shape[0], W.shape[1]), dtype=x.dtype).at[dst].add(msg)
    return out + b


def _batch_norm(x, g, b, eps=1e-5):
    mu = x.mean(axis=0)
    var = x.var(axis=0)
    return g * (x - mu) / jnp.sqrt(var + eps) + b


def reference(x, edge_index, W1, b1, g1, bt1, W2, b2, g2, bt2, W3, b3):
    n = x.shape[0]
    loop = jnp.arange(n, dtype=edge_index.dtype)
    src = jnp.concatenate([edge_index[0], loop])
    dst = jnp.concatenate([edge_index[1], loop])
    deg = jnp.zeros((n,), dtype=x.dtype).at[dst].add(1.0)
    deg_inv_sqrt = jnp.where(deg > 0, deg ** -0.5, 0.0)
    norm = deg_inv_sqrt[src] * deg_inv_sqrt[dst]

    h = _gcn_conv(x, src, dst, norm, W1, b1)
    h = _batch_norm(h, g1, bt1)
    h = jax.nn.leaky_relu(h, negative_slope=0.01)
    # dropout (p=0.2) is identity in eval/deterministic mode
    h = _gcn_conv(h, src, dst, norm, W2, b2)
    h = _batch_norm(h, g2, bt2)
    h = jax.nn.leaky_relu(h, negative_slope=0.01)
    h = _gcn_conv(h, src, dst, norm, W3, b3)
    return h

if __name__ == "__main__":
    import jax
    _d = setup_inputs()
    print(jax.jit(kernel)(*tuple(_d.values())))

</pallas_src>

<mosaic_0001>
#map = affine_map<(d0, d1) -> (0, 0)>
#map1 = affine_map<(d0, d1) -> (0, 0, 0, 0)>
#map2 = affine_map<(d0, d1) -> (0, 0, 0)>
module attributes {stable_mosaic.version = 14 : i64} {
  func.func @_sc_agg_big_body(%arg0: i32, %arg1: i32, %arg2: memref<20000x64xf32, #tpu.memory_space<hbm>>, %arg3: memref<2x16x250x80xi32, #tpu.memory_space<hbm>>, %arg4: memref<16x250x80xi32, #tpu.memory_space<hbm>>, %arg5: memref<10240x64xf32, #tpu.memory_space<hbm>>, %arg6: memref<10240x128xf32, #tpu.memory_space<hbm>>, %arg7: memref<250x80xi32, #tpu.memory_space<vmem>>, %arg8: memref<250x80xi32, #tpu.memory_space<vmem>>, %arg9: memref<80x64xf32, #tpu.memory_space<vmem>>, %arg10: memref<10240x64xf32, #tpu.memory_space<vmem_shared>>, %arg11: memref<!tpu.dma_semaphore, #tpu.memory_space<semaphore_mem>>) attributes {dimension_semantics = [#tpu.dimension_semantics<core_parallel>, #tpu.dimension_semantics<subcore_parallel>], iteration_bounds = array<i64: 2, 16>, scalar_prefetch = 0 : i64, scratch_operands = 5 : i64, tpu.core_type = #tpu.core_type<sc_vector_subcore>, window_params = [{transform_indices = #map}, {transform_indices = #map1}, {transform_indices = #map2}, {transform_indices = #map}, {transform_indices = #map}]} {
    %mul3A = arith.constant 640 : i32
    %mul3A_0 = arith.muli %arg1, %mul3A : i32
    "tpu.region"() ({
      %run_scoped3A = tpu.sem_alloc : memref<!tpu.dma_semaphore, #tpu.memory_space<semaphore_mem>>
      %dma_start3A = arith.constant 0 : i32
      %dma_start3A_9 = tpu.memref_slice %arg10[%mul3A_0, %dma_start3A] : memref<10240x64xf32, #tpu.memory_space<vmem_shared>> -> memref<640x64xf32, #tpu.memory_space<vmem_shared>>
      %dma_start3A_10 = arith.constant 0 : i32
      %dma_start3A_11 = tpu.memref_slice %arg5[%mul3A_0, %dma_start3A_10] : memref<10240x64xf32, #tpu.memory_space<hbm>> -> memref<640x64xf32, #tpu.memory_space<hbm>>
      tpu.enqueue_dma source(%dma_start3A_11 : memref<640x64xf32, #tpu.memory_space<hbm>>) target(%dma_start3A_9 : memref<640x64xf32, #tpu.memory_space<vmem_shared>>) target_semaphore(%run_scoped3A : memref<!tpu.dma_semaphore, #tpu.memory_space<semaphore_mem>>)
      %dma_wait3A = arith.constant 0 : i32
      %dma_wait3A_12 = tpu.memref_slice %arg10[%mul3A_0, %dma_wait3A] : memref<10240x64xf32, #tpu.memory_space<vmem_shared>> -> memref<640x64xf32, #tpu.memory_space<vmem_shared>>
      %dma_wait3A_13 = arith.constant 0 : i32
      %dma_wait3A_14 = tpu.memref_slice %arg5[%mul3A_0, %dma_wait3A_13] : memref<10240x64xf32, #tpu.memory_space<hbm>> -> memref<640x64xf32, #tpu.memory_space<hbm>>
      tpu.wait_dma2 semaphore(%run_scoped3A : memref<!tpu.dma_semaphore, #tpu.memory_space<semaphore_mem>>) src(%dma_wait3A_14 : memref<640x64xf32, #tpu.memory_space<hbm>>) dst(%dma_wait3A_12 : memref<640x64xf32, #tpu.memory_space<vmem_shared>>)
      tpu.yield
    }) : () -> ()
    "tpu.region"() ({
      %run_scoped3A = tpu.sem_alloc : memref<!tpu.dma_semaphore, #tpu.memory_space<semaphore_mem>>
      %dma_start3A = arith.constant 0 : i32
      %dma_start3A_9 = arith.constant 0 : i32
      %dma_start3A_10 = tpu.memref_slice %arg3[%arg0, %arg1, %dma_start3A, %dma_start3A_9] : memref<2x16x250x80xi32, #tpu.memory_space<hbm>> -> memref<1x1x250x80xi32, #tpu.memory_space<hbm>>
      %dma_start3A_11 = tpu.memref_squeeze %dma_start3A_10 : memref<1x1x250x80xi32, #tpu.memory_space<hbm>> -> memref<250x80xi32, #tpu.memory_space<hbm>>
      %dma_start3A_12 = arith.constant 0 : i32
      %dma_start3A_13 = arith.constant 0 : i32
      %dma_start3A_14 = tpu.memref_slice %arg3[%arg0, %arg1, %dma_start3A_12, %dma_start3A_13] : memref<2x16x250x80xi32, #tpu.memory_space<hbm>> -> memref<1x1x250x80xi32, #tpu.memory_space<hbm>>
      %dma_start3A_15 = tpu.memref_squeeze %dma_start3A_14 : memref<1x1x250x80xi32, #tpu.memory_space<hbm>> -> memref<250x80xi32, #tpu.memory_space<hbm>>
      tpu.enqueue_dma source(%dma_start3A_15 : memref<250x80xi32, #tpu.memory_space<hbm>>) target(%arg7 : memref<250x80xi32, #tpu.memory_space<vmem>>) target_semaphore(%run_scoped3A : memref<!tpu.dma_semaphore, #tpu.memory_space<semaphore_mem>>)
      %dma_wait3A = arith.constant 0 : i32
      %dma_wait3A_16 = arith.constant 0 : i32
      %dma_wait3A_17 = tpu.memref_slice %arg3[%arg0, %arg1, %dma_wait3A, %dma_wait3A_16] : memref<2x16x250x80xi32, #tpu.memory_space<hbm>> -> memref<1x1x250x80xi32, #tpu.memory_space<hbm>>
      %dma_wait3A_18 = tpu.memref_squeeze %dma_wait3A_17 : memref<1x1x250x80xi32, #tpu.memory_space<hbm>> -> memref<250x80xi32, #tpu.memory_space<hbm>>
      %dma_wait3A_19 = arith.constant 0 : i32
      %dma_wait3A_20 = arith.constant 0 : i32
      %dma_wait3A_21 = tpu.memref_slice %arg3[%arg0, %arg1, %dma_wait3A_19, %dma_wait3A_20] : memref<2x16x250x80xi32, #tpu.memory_space<hbm>> -> memref<1x1x250x80xi32, #tpu.memory_space<hbm>>
      %dma_wait3A_22 = tpu.memref_squeeze %dma_wait3A_21 : memref<1x1x250x80xi32, #tpu.memory_space<hbm>> -> memref<250x80xi32, #tpu.memory_space<hbm>>
      tpu.wait_dma2 semaphore(%run_scoped3A : memref<!tpu.dma_semaphore, #tpu.memory_space<semaphore_mem>>) src(%dma_wait3A_22 : memref<250x80xi32, #tpu.memory_space<hbm>>) dst(%arg7 : memref<250x80xi32, #tpu.memory_space<vmem>>)
      tpu.yield
    }) : () -> ()
    "tpu.region"() ({
      %run_scoped3A = tpu.sem_alloc : memref<!tpu.dma_semaphore, #tpu.memory_space<semaphore_mem>>
      %dma_start3A = arith.constant 0 : i32
      %dma_start3A_9 = arith.constant 0 : i32
      %dma_start3A_10 = tpu.memref_slice %arg4[%arg1, %dma_start3A, %dma_start3A_9] : memref<16x250x80xi32, #tpu.memory_space<hbm>> -> memref<1x250x80xi32, #tpu.memory_space<hbm>>
      %dma_start3A_11 = tpu.memref_squeeze %dma_start3A_10 : memref<1x250x80xi32, #tpu.memory_space<hbm>> -> memref<250x80xi32, #tpu.memory_space<hbm>>
      %dma_start3A_12 = arith.constant 0 : i32
      %dma_start3A_13 = arith.constant 0 : i32
      %dma_start3A_14 = tpu.memref_slice %arg4[%arg1, %dma_start3A_12, %dma_start3A_13] : memref<16x250x80xi32, #tpu.memory_space<hbm>> -> memref<1x250x80xi32, #tpu.memory_space<hbm>>
      %dma_start3A_15 = tpu.memref_squeeze %dma_start3A_14 : memref<1x250x80xi32, #tpu.memory_space<hbm>> -> memref<250x80xi32, #tpu.memory_space<hbm>>
      tpu.enqueue_dma source(%dma_start3A_15 : memref<250x80xi32, #tpu.memory_space<hbm>>) target(%arg8 : memref<250x80xi32, #tpu.memory_space<vmem>>) target_semaphore(%run_scoped3A : memref<!tpu.dma_semaphore, #tpu.memory_space<semaphore_mem>>)
      %dma_wait3A = arith.constant 0 : i32
      %dma_wait3A_16 = arith.constant 0 : i32
      %dma_wait3A_17 = tpu.memref_slice %arg4[%arg1, %dma_wait3A, %dma_wait3A_16] : memref<16x250x80xi32, #tpu.memory_space<hbm>> -> memref<1x250x80xi32, #tpu.memory_space<hbm>>
      %dma_wait3A_18 = tpu.memref_squeeze %dma_wait3A_17 : memref<1x250x80xi32, #tpu.memory_space<hbm>> -> memref<250x80xi32, #tpu.memory_space<hbm>>
      %dma_wait3A_19 = arith.constant 0 : i32
      %dma_wait3A_20 = arith.constant 0 : i32
      %dma_wait3A_21 = tpu.memref_slice %arg4[%arg1, %dma_wait3A_19, %dma_wait3A_20] : memref<16x250x80xi32, #tpu.memory_space<hbm>> -> memref<1x250x80xi32, #tpu.memory_space<hbm>>
      %dma_wait3A_22 = tpu.memref_squeeze %dma_wait3A_21 : memref<1x250x80xi32, #tpu.memory_space<hbm>> -> memref<250x80xi32, #tpu.memory_space<hbm>>
      tpu.wait_dma2 semaphore(%run_scoped3A : memref<!tpu.dma_semaphore, #tpu.memory_space<semaphore_mem>>) src(%dma_wait3A_22 : memref<250x80xi32, #tpu.memory_space<hbm>>) dst(%arg8 : memref<250x80xi32, #tpu.memory_space<vmem>>)
      tpu.yield
    }) : () -> ()
    %barrier3A = arith.constant 0 : index
    tpu.barrier barrier_id(%barrier3A)
    %scan3A = arith.constant 0 : i32
    %scan3A_1 = arith.constant 0 : i32
    %scan3A_2 = arith.constant 250 : i32
    %scan3A_3 = arith.addi %scan3A_1, %scan3A_2 : i32
    %scan3A_4 = arith.constant 1 : i32
    scf.for %scan3A_9 = %scan3A_1 to %scan3A_3 step %scan3A_4  : i32 {
      %dma_start3A = arith.constant 0 : i32
      %dma_start3A_10 = tpu.memref_slice %arg7[%scan3A_9, %dma_start3A] : memref<250x80xi32, #tpu.memory_space<vmem>> -> memref<1x80xi32, #tpu.memory_space<vmem>>
      %dma_start3A_11 = tpu.memref_squeeze %dma_start3A_10 : memref<1x80xi32, #tpu.memory_space<vmem>> -> memref<80xi32, #tpu.memory_space<vmem>>
      %dma_start3A_12 = arith.constant 0 : i32
      %dma_start3A_13 = arith.constant 0 : i32
      %dma_start3A_14 = tpu.memref_slice %arg2[%dma_start3A_12, %dma_start3A_13] : memref<20000x64xf32, #tpu.memory_space<hbm>> -> memref<20000x64xf32, #tpu.memory_space<hbm>>
      tpu.enqueue_indirect_dma source(%dma_start3A_14 : memref<20000x64xf32, #tpu.memory_space<hbm>>) target(%arg9 : memref<80x64xf32, #tpu.memory_space<vmem>>) offsets(%dma_start3A_11 : memref<80xi32, #tpu.memory_space<vmem>>) semaphore(%arg11 : memref<!tpu.dma_semaphore, #tpu.memory_space<semaphore_mem>>)
      %dma_wait3A = arith.constant 0 : i32
      %dma_wait3A_15 = tpu.memref_slice %arg7[%scan3A_9, %dma_wait3A] : memref<250x80xi32, #tpu.memory_space<vmem>> -> memref<1x80xi32, #tpu.memory_space<vmem>>
      %dma_wait3A_16 = tpu.memref_squeeze %dma_wait3A_15 : memref<1x80xi32, #tpu.memory_space<vmem>> -> memref<80xi32, #tpu.memory_space<vmem>>
      %dma_wait3A_17 = arith.constant 0 : i32
      %dma_wait3A_18 = arith.constant 0 : i32
      %dma_wait3A_19 = tpu.memref_slice %arg2[%dma_wait3A_17, %dma_wait3A_18] : memref<20000x64xf32, #tpu.memory_space<hbm>> -> memref<20000x64xf32, #tpu.memory_space<hbm>>
      tpu.wait_indirect_dma semaphore(%arg11 : memref<!tpu.dma_semaphore, #tpu.memory_space<semaphore_mem>>) src(%dma_wait3A_19 : memref<20000x64xf32, #tpu.memory_space<hbm>>) dst(%arg9 : memref<80x64xf32, #tpu.memory_space<vmem>>)
      "tpu.region"() ({
        %run_scoped3A = tpu.sem_alloc : memref<!tpu.dma_semaphore, #tpu.memory_space<semaphore_mem>>
        %dma_start3A_20 = arith.constant 0 : i32
        %dma_start3A_21 = tpu.memref_slice %arg8[%scan3A_9, %dma_start3A_20] : memref<250x80xi32, #tpu.memory_space<vmem>> -> memref<1x80xi32, #tpu.memory_space<vmem>>
        %dma_start3A_22 = tpu.memref_squeeze %dma_start3A_21 : memref<1x80xi32, #tpu.memory_space<vmem>> -> memref<80xi32, #tpu.memory_space<vmem>>
        %dma_start3A_23 = arith.constant 0 : i32
        %dma_start3A_24 = arith.constant 0 : i32
        %dma_start3A_25 = tpu.memref_slice %arg10[%dma_start3A_23, %dma_start3A_24] : memref<10240x64xf32, #tpu.memory_space<vmem_shared>> -> memref<10240x64xf32, #tpu.memory_space<vmem_shared>>
        tpu.enqueue_indirect_dma source(%arg9 : memref<80x64xf32, #tpu.memory_space<vmem>>) target(%dma_start3A_25 : memref<10240x64xf32, #tpu.memory_space<vmem_shared>>) offsets(%dma_start3A_22 : memref<80xi32, #tpu.memory_space<vmem>>) semaphore(%run_scoped3A : memref<!tpu.dma_semaphore, #tpu.memory_space<semaphore_mem>>) {add = true}
        %dma_wait3A_26 = arith.constant 0 : i32
        %dma_wait3A_27 = tpu.memref_slice %arg8[%scan3A_9, %dma_wait3A_26] : memref<250x80xi32, #tpu.memory_space<vmem>> -> memref<1x80xi32, #tpu.memory_space<vmem>>
        %dma_wait3A_28 = tpu.memref_squeeze %dma_wait3A_27 : memref<1x80xi32, #tpu.memory_space<vmem>> -> memref<80xi32, #tpu.memory_space<vmem>>
        %dma_wait3A_29 = arith.constant 0 : i32
        %dma_wait3A_30 = arith.constant 0 : i32
        %dma_wait3A_31 = tpu.memref_slice %arg10[%dma_wait3A_29, %dma_wait3A_30] : memref<10240x64xf32, #tpu.memory_space<vmem_shared>> -> memref<10240x64xf32, #tpu.memory_space<vmem_shared>>
        tpu.wait_indirect_dma semaphore(%run_scoped3A : memref<!tpu.dma_semaphore, #tpu.memory_space<semaphore_mem>>) src(%arg9 : memref<80x64xf32, #tpu.memory_space<vmem>>) dst(%dma_wait3A_31 : memref<10240x64xf32, #tpu.memory_space<vmem_shared>>)
        tpu.yield
      }) : () -> ()
    }
    %scan3A_5 = arith.constant 250 : i32
    %barrier3A_6 = arith.constant 0 : index
    tpu.barrier barrier_id(%barrier3A_6)
    %mul3A_7 = arith.constant 64 : i32
    %mul3A_8 = arith.muli %arg0, %mul3A_7 : i32
    "tpu.region"() ({
      %run_scoped3A = tpu.sem_alloc : memref<!tpu.dma_semaphore, #tpu.memory_space<semaphore_mem>>
      %dma_start3A = tpu.memref_slice %arg6[%mul3A_0, %mul3A_8] : memref<10240x128xf32, #tpu.memory_space<hbm>> -> memref<640x64xf32, #tpu.memory_space<hbm>>
      %dma_start3A_9 = arith.constant 0 : i32
      %dma_start3A_10 = tpu.memref_slice %arg10[%mul3A_0, %dma_start3A_9] : memref<10240x64xf32, #tpu.memory_space<vmem_shared>> -> memref<640x64xf32, #tpu.memory_space<vmem_shared>>
      tpu.enqueue_dma source(%dma_start3A_10 : memref<640x64xf32, #tpu.memory_space<vmem_shared>>) target(%dma_start3A : memref<640x64xf32, #tpu.memory_space<hbm>>) target_semaphore(%run_scoped3A : memref<!tpu.dma_semaphore, #tpu.memory_space<semaphore_mem>>)
      %dma_wait3A = tpu.memref_slice %arg6[%mul3A_0, %mul3A_8] : memref<10240x128xf32, #tpu.memory_space<hbm>> -> memref<640x64xf32, #tpu.memory_space<hbm>>
      %dma_wait3A_11 = arith.constant 0 : i32
      %dma_wait3A_12 = tpu.memref_slice %arg10[%mul3A_0, %dma_wait3A_11] : memref<10240x64xf32, #tpu.memory_space<vmem_shared>> -> memref<640x64xf32, #tpu.memory_space<vmem_shared>>
      tpu.wait_dma2 semaphore(%run_scoped3A : memref<!tpu.dma_semaphore, #tpu.memory_space<semaphore_mem>>) src(%dma_wait3A_12 : memref<640x64xf32, #tpu.memory_space<vmem_shared>>) dst(%dma_wait3A : memref<640x64xf32, #tpu.memory_space<hbm>>)
      tpu.yield
    }) : () -> ()
    return
  }
}

#map = affine_map<(d0, d1) -> (0, 0)>
#map1 = affine_map<(d0, d1) -> (0, 0, 0, 0)>
#map2 = affine_map<(d0, d1) -> (0, 0, 0)>
module attributes {stable_mosaic.version = 14 : i64} {
  func.func @_sc_agg16_body(%arg0: i32, %arg1: i32, %arg2: memref<10240x16xf32, #tpu.memory_space<hbm>>, %arg3: memref<2x16x10x1024xi32, #tpu.memory_space<hbm>>, %arg4: memref<2x16x10x1024xi32, #tpu.memory_space<hbm>>, %arg5: memref<10240x16xf32, #tpu.memory_space<hbm>>, %arg6: memref<2x10240x16xf32, #tpu.memory_space<hbm>>, %arg7: memref<10x1024xi32, #tpu.memory_space<vmem>>, %arg8: memref<10x1024xi32, #tpu.memory_space<vmem>>, %arg9: memref<1024x16xf32, #tpu.memory_space<vmem>>, %arg10: memref<10240x16xf32, #tpu.memory_space<vmem_shared>>, %arg11: memref<!tpu.dma_semaphore, #tpu.memory_space<semaphore_mem>>) attributes {dimension_semantics = [#tpu.dimension_semantics<core_parallel>, #tpu.dimension_semantics<subcore_parallel>], iteration_bounds = array<i64: 2, 16>, scalar_prefetch = 0 : i64, scratch_operands = 5 : i64, tpu.core_type = #tpu.core_type<sc_vector_subcore>, window_params = [{transform_indices = #map}, {transform_indices = #map1}, {transform_indices = #map1}, {transform_indices = #map}, {transform_indices = #map2}]} {
    %mul3A = arith.constant 640 : i32
    %mul3A_0 = arith.muli %arg1, %mul3A : i32
    "tpu.region"() ({
      %run_scoped3A = tpu.sem_alloc : memref<!tpu.dma_semaphore, #tpu.memory_space<semaphore_mem>>
      %dma_start3A = arith.constant 0 : i32
      %dma_start3A_7 = tpu.memref_slice %arg10[%mul3A_0, %dma_start3A] : memref<10240x16xf32, #tpu.memory_space<vmem_shared>> -> memref<640x16xf32, #tpu.memory_space<vmem_shared>>
      %dma_start3A_8 = arith.constant 0 : i32
      %dma_start3A_9 = tpu.memref_slice %arg5[%mul3A_0, %dma_start3A_8] : memref<10240x16xf32, #tpu.memory_space<hbm>> -> memref<640x16xf32, #tpu.memory_space<hbm>>
      tpu.enqueue_dma source(%dma_start3A_9 : memref<640x16xf32, #tpu.memory_space<hbm>>) target(%dma_start3A_7 : memref<640x16xf32, #tpu.memory_space<vmem_shared>>) target_semaphore(%run_scoped3A : memref<!tpu.dma_semaphore, #tpu.memory_space<semaphore_mem>>)
      %dma_wait3A = arith.constant 0 : i32
      %dma_wait3A_10 = tpu.memref_slice %arg10[%mul3A_0, %dma_wait3A] : memref<10240x16xf32, #tpu.memory_space<vmem_shared>> -> memref<640x16xf32, #tpu.memory_space<vmem_shared>>
      %dma_wait3A_11 = arith.constant 0 : i32
      %dma_wait3A_12 = tpu.memref_slice %arg5[%mul3A_0, %dma_wait3A_11] : memref<10240x16xf32, #tpu.memory_space<hbm>> -> memref<640x16xf32, #tpu.memory_space<hbm>>
      tpu.wait_dma2 semaphore(%run_scoped3A : memref<!tpu.dma_semaphore, #tpu.memory_space<semaphore_mem>>) src(%dma_wait3A_12 : memref<640x16xf32, #tpu.memory_space<hbm>>) dst(%dma_wait3A_10 : memref<640x16xf32, #tpu.memory_space<vmem_shared>>)
      tpu.yield
    }) : () -> ()
    "tpu.region"() ({
      %run_scoped3A = tpu.sem_alloc : memref<!tpu.dma_semaphore, #tpu.memory_space<semaphore_mem>>
      %dma_start3A = arith.constant 0 : i32
      %dma_start3A_7 = arith.constant 0 : i32
      %dma_start3A_8 = tpu.memref_slice %arg3[%arg0, %arg1, %dma_start3A, %dma_start3A_7] : memref<2x16x10x1024xi32, #tpu.memory_space<hbm>> -> memref<1x1x10x1024xi32, #tpu.memory_space<hbm>>
      %dma_start3A_9 = tpu.memref_squeeze %dma_start3A_8 : memref<1x1x10x1024xi32, #tpu.memory_space<hbm>> -> memref<10x1024xi32, #tpu.memory_space<hbm>>
      %dma_start3A_10 = arith.constant 0 : i32
      %dma_start3A_11 = arith.constant 0 : i32
      %dma_start3A_12 = tpu.memref_slice %arg3[%arg0, %arg1, %dma_start3A_10, %dma_start3A_11] : memref<2x16x10x1024xi32, #tpu.memory_space<hbm>> -> memref<1x1x10x1024xi32, #tpu.memory_space<hbm>>
      %dma_start3A_13 = tpu.memref_squeeze %dma_start3A_12 : memref<1x1x10x1024xi32, #tpu.memory_space<hbm>> -> memref<10x1024xi32, #tpu.memory_space<hbm>>
      tpu.enqueue_dma source(%dma_start3A_13 : memref<10x1024xi32, #tpu.memory_space<hbm>>) target(%arg7 : memref<10x1024xi32, #tpu.memory_space<vmem>>) target_semaphore(%run_scoped3A : memref<!tpu.dma_semaphore, #tpu.memory_space<semaphore_mem>>)
      %dma_wait3A = arith.constant 0 : i32
      %dma_wait3A_14 = arith.constant 0 : i32
      %dma_wait3A_15 = tpu.memref_slice %arg3[%arg0, %arg1, %dma_wait3A, %dma_wait3A_14] : memref<2x16x10x1024xi32, #tpu.memory_space<hbm>> -> memref<1x1x10x1024xi32, #tpu.memory_space<hbm>>
      %dma_wait3A_16 = tpu.memref_squeeze %dma_wait3A_15 : memref<1x1x10x1024xi32, #tpu.memory_space<hbm>> -> memref<10x1024xi32, #tpu.memory_space<hbm>>
      %dma_wait3A_17 = arith.constant 0 : i32
      %dma_wait3A_18 = arith.constant 0 : i32
      %dma_wait3A_19 = tpu.memref_slice %arg3[%arg0, %arg1, %dma_wait3A_17, %dma_wait3A_18] : memref<2x16x10x1024xi32, #tpu.memory_space<hbm>> -> memref<1x1x10x1024xi32, #tpu.memory_space<hbm>>
      %dma_wait3A_20 = tpu.memref_squeeze %dma_wait3A_19 : memref<1x1x10x1024xi32, #tpu.memory_space<hbm>> -> memref<10x1024xi32, #tpu.memory_space<hbm>>
      tpu.wait_dma2 semaphore(%run_scoped3A : memref<!tpu.dma_semaphore, #tpu.memory_space<semaphore_mem>>) src(%dma_wait3A_20 : memref<10x1024xi32, #tpu.memory_space<hbm>>) dst(%arg7 : memref<10x1024xi32, #tpu.memory_space<vmem>>)
      tpu.yield
    }) : () -> ()
    "tpu.region"() ({
      %run_scoped3A = tpu.sem_alloc : memref<!tpu.dma_semaphore, #tpu.memory_space<semaphore_mem>>
      %dma_start3A = arith.constant 0 : i32
      %dma_start3A_7 = arith.constant 0 : i32
      %dma_start3A_8 = tpu.memref_slice %arg4[%arg0, %arg1, %dma_start3A, %dma_start3A_7] : memref<2x16x10x1024xi32, #tpu.memory_space<hbm>> -> memref<1x1x10x1024xi32, #tpu.memory_space<hbm>>
      %dma_start3A_9 = tpu.memref_squeeze %dma_start3A_8 : memref<1x1x10x1024xi32, #tpu.memory_space<hbm>> -> memref<10x1024xi32, #tpu.memory_space<hbm>>
      %dma_start3A_10 = arith.constant 0 : i32
      %dma_start3A_11 = arith.constant 0 : i32
      %dma_start3A_12 = tpu.memref_slice %arg4[%arg0, %arg1, %dma_start3A_10, %dma_start3A_11] : memref<2x16x10x1024xi32, #tpu.memory_space<hbm>> -> memref<1x1x10x1024xi32, #tpu.memory_space<hbm>>
      %dma_start3A_13 = tpu.memref_squeeze %dma_start3A_12 : memref<1x1x10x1024xi32, #tpu.memory_space<hbm>> -> memref<10x1024xi32, #tpu.memory_space<hbm>>
      tpu.enqueue_dma source(%dma_start3A_13 : memref<10x1024xi32, #tpu.memory_space<hbm>>) target(%arg8 : memref<10x1024xi32, #tpu.memory_space<vmem>>) target_semaphore(%run_scoped3A : memref<!tpu.dma_semaphore, #tpu.memory_space<semaphore_mem>>)
      %dma_wait3A = arith.constant 0 : i32
      %dma_wait3A_14 = arith.constant 0 : i32
      %dma_wait3A_15 = tpu.memref_slice %arg4[%arg0, %arg1, %dma_wait3A, %dma_wait3A_14] : memref<2x16x10x1024xi32, #tpu.memory_space<hbm>> -> memref<1x1x10x1024xi32, #tpu.memory_space<hbm>>
      %dma_wait3A_16 = tpu.memref_squeeze %dma_wait3A_15 : memref<1x1x10x1024xi32, #tpu.memory_space<hbm>> -> memref<10x1024xi32, #tpu.memory_space<hbm>>
      %dma_wait3A_17 = arith.constant 0 : i32
      %dma_wait3A_18 = arith.constant 0 : i32
      %dma_wait3A_19 = tpu.memref_slice %arg4[%arg0, %arg1, %dma_wait3A_17, %dma_wait3A_18] : memref<2x16x10x1024xi32, #tpu.memory_space<hbm>> -> memref<1x1x10x1024xi32, #tpu.memory_space<hbm>>
      %dma_wait3A_20 = tpu.memref_squeeze %dma_wait3A_19 : memref<1x1x10x1024xi32, #tpu.memory_space<hbm>> -> memref<10x1024xi32, #tpu.memory_space<hbm>>
      tpu.wait_dma2 semaphore(%run_scoped3A : memref<!tpu.dma_semaphore, #tpu.memory_space<semaphore_mem>>) src(%dma_wait3A_20 : memref<10x1024xi32, #tpu.memory_space<hbm>>) dst(%arg8 : memref<10x1024xi32, #tpu.memory_space<vmem>>)
      tpu.yield
    }) : () -> ()
    %barrier3A = arith.constant 0 : index
    tpu.barrier barrier_id(%barrier3A)
    %scan3A = arith.constant 0 : i32
    %scan3A_1 = arith.constant 0 : i32
    %scan3A_2 = arith.constant 10 : i32
    %scan3A_3 = arith.addi %scan3A_1, %scan3A_2 : i32
    %scan3A_4 = arith.constant 1 : i32
    scf.for %scan3A_7 = %scan3A_1 to %scan3A_3 step %scan3A_4  : i32 {
      %dma_start3A = arith.constant 0 : i32
      %dma_start3A_8 = tpu.memref_slice %arg7[%scan3A_7, %dma_start3A] : memref<10x1024xi32, #tpu.memory_space<vmem>> -> memref<1x1024xi32, #tpu.memory_space<vmem>>
      %dma_start3A_9 = tpu.memref_squeeze %dma_start3A_8 : memref<1x1024xi32, #tpu.memory_space<vmem>> -> memref<1024xi32, #tpu.memory_space<vmem>>
      %dma_start3A_10 = arith.constant 0 : i32
      %dma_start3A_11 = arith.constant 0 : i32
      %dma_start3A_12 = tpu.memref_slice %arg2[%dma_start3A_10, %dma_start3A_11] : memref<10240x16xf32, #tpu.memory_space<hbm>> -> memref<10240x16xf32, #tpu.memory_space<hbm>>
      tpu.enqueue_indirect_dma source(%dma_start3A_12 : memref<10240x16xf32, #tpu.memory_space<hbm>>) target(%arg9 : memref<1024x16xf32, #tpu.memory_space<vmem>>) offsets(%dma_start3A_9 : memref<1024xi32, #tpu.memory_space<vmem>>) semaphore(%arg11 : memref<!tpu.dma_semaphore, #tpu.memory_space<semaphore_mem>>)
      %dma_wait3A = arith.constant 0 : i32
      %dma_wait3A_13 = tpu.memref_slice %arg7[%scan3A_7, %dma_wait3A] : memref<10x1024xi32, #tpu.memory_space<vmem>> -> memref<1x1024xi32, #tpu.memory_space<vmem>>
      %dma_wait3A_14 = tpu.memref_squeeze %dma_wait3A_13 : memref<1x1024xi32, #tpu.memory_space<vmem>> -> memref<1024xi32, #tpu.memory_space<vmem>>
      %dma_wait3A_15 = arith.constant 0 : i32
      %dma_wait3A_16 = arith.constant 0 : i32
      %dma_wait3A_17 = tpu.memref_slice %arg2[%dma_wait3A_15, %dma_wait3A_16] : memref<10240x16xf32, #tpu.memory_space<hbm>> -> memref<10240x16xf32, #tpu.memory_space<hbm>>
      tpu.wait_indirect_dma semaphore(%arg11 : memref<!tpu.dma_semaphore, #tpu.memory_space<semaphore_mem>>) src(%dma_wait3A_17 : memref<10240x16xf32, #tpu.memory_space<hbm>>) dst(%arg9 : memref<1024x16xf32, #tpu.memory_space<vmem>>)
      "tpu.region"() ({
        %run_scoped3A = tpu.sem_alloc : memref<!tpu.dma_semaphore, #tpu.memory_space<semaphore_mem>>
        %dma_start3A_18 = arith.constant 0 : i32
        %dma_start3A_19 = tpu.memref_slice %arg8[%scan3A_7, %dma_start3A_18] : memref<10x1024xi32, #tpu.memory_space<vmem>> -> memref<1x1024xi32, #tpu.memory_space<vmem>>
        %dma_start3A_20 = tpu.memref_squeeze %dma_start3A_19 : memref<1x1024xi32, #tpu.memory_space<vmem>> -> memref<1024xi32, #tpu.memory_space<vmem>>
        %dma_start3A_21 = arith.constant 0 : i32
        %dma_start3A_22 = arith.constant 0 : i32
        %dma_start3A_23 = tpu.memref_slice %arg10[%dma_start3A_21, %dma_start3A_22] : memref<10240x16xf32, #tpu.memory_space<vmem_shared>> -> memref<10240x16xf32, #tpu.memory_space<vmem_shared>>
        tpu.enqueue_indirect_dma source(%arg9 : memref<1024x16xf32, #tpu.memory_space<vmem>>) target(%dma_start3A_23 : memref<10240x16xf32, #tpu.memory_space<vmem_shared>>) offsets(%dma_start3A_20 : memref<1024xi32, #tpu.memory_space<vmem>>) semaphore(%run_scoped3A : memref<!tpu.dma_semaphore, #tpu.memory_space<semaphore_mem>>) {add = true}
        %dma_wait3A_24 = arith.constant 0 : i32
        %dma_wait3A_25 = tpu.memref_slice %arg8[%scan3A_7, %dma_wait3A_24] : memref<10x1024xi32, #tpu.memory_space<vmem>> -> memref<1x1024xi32, #tpu.memory_space<vmem>>
        %dma_wait3A_26 = tpu.memref_squeeze %dma_wait3A_25 : memref<1x1024xi32, #tpu.memory_space<vmem>> -> memref<1024xi32, #tpu.memory_space<vmem>>
        %dma_wait3A_27 = arith.constant 0 : i32
        %dma_wait3A_28 = arith.constant 0 : i32
        %dma_wait3A_29 = tpu.memref_slice %arg10[%dma_wait3A_27, %dma_wait3A_28] : memref<10240x16xf32, #tpu.memory_space<vmem_shared>> -> memref<10240x16xf32, #tpu.memory_space<vmem_shared>>
        tpu.wait_indirect_dma semaphore(%run_scoped3A : memref<!tpu.dma_semaphore, #tpu.memory_space<semaphore_mem>>) src(%arg9 : memref<1024x16xf32, #tpu.memory_space<vmem>>) dst(%dma_wait3A_29 : memref<10240x16xf32, #tpu.memory_space<vmem_shared>>)
        tpu.yield
      }) : () -> ()
    }
    %scan3A_5 = arith.constant 10 : i32
    %barrier3A_6 = arith.constant 0 : index
    tpu.barrier barrier_id(%barrier3A_6)
    "tpu.region"() ({
      %run_scoped3A = tpu.sem_alloc : memref<!tpu.dma_semaphore, #tpu.memory_space<semaphore_mem>>
      %dma_start3A = arith.constant 0 : i32
      %dma_start3A_7 = tpu.memref_slice %arg6[%arg0, %mul3A_0, %dma_start3A] : memref<2x10240x16xf32, #tpu.memory_space<hbm>> -> memref<1x640x16xf32, #tpu.memory_space<hbm>>
      %dma_start3A_8 = tpu.memref_squeeze %dma_start3A_7 : memref<1x640x16xf32, #tpu.memory_space<hbm>> -> memref<640x16xf32, #tpu.memory_space<hbm>>
      %dma_start3A_9 = arith.constant 0 : i32
      %dma_start3A_10 = tpu.memref_slice %arg10[%mul3A_0, %dma_start3A_9] : memref<10240x16xf32, #tpu.memory_space<vmem_shared>> -> memref<640x16xf32, #tpu.memory_space<vmem_shared>>
      tpu.enqueue_dma source(%dma_start3A_10 : memref<640x16xf32, #tpu.memory_space<vmem_shared>>) target(%dma_start3A_8 : memref<640x16xf32, #tpu.memory_space<hbm>>) target_semaphore(%run_scoped3A : memref<!tpu.dma_semaphore, #tpu.memory_space<semaphore_mem>>)
      %dma_wait3A = arith.constant 0 : i32
      %dma_wait3A_11 = tpu.memref_slice %arg6[%arg0, %mul3A_0, %dma_wait3A] : memref<2x10240x16xf32, #tpu.memory_space<hbm>> -> memref<1x640x16xf32, #tpu.memory_space<hbm>>
      %dma_wait3A_12 = tpu.memref_squeeze %dma_wait3A_11 : memref<1x640x16xf32, #tpu.memory_space<hbm>> -> memref<640x16xf32, #tpu.memory_space<hbm>>
      %dma_wait3A_13 = arith.constant 0 : i32
      %dma_wait3A_14 = tpu.memref_slice %arg10[%mul3A_0, %dma_wait3A_13] : memref<10240x16xf32, #tpu.memory_space<vmem_shared>> -> memref<640x16xf32, #tpu.memory_space<vmem_shared>>
      tpu.wait_dma2 semaphore(%run_scoped3A : memref<!tpu.dma_semaphore, #tpu.memory_space<semaphore_mem>>) src(%dma_wait3A_14 : memref<640x16xf32, #tpu.memory_space<vmem_shared>>) dst(%dma_wait3A_12 : memref<640x16xf32, #tpu.memory_space<hbm>>)
      tpu.yield
    }) : () -> ()
    return
  }
}

#map = affine_map<(d0, d1) -> (0, 0)>
#map1 = affine_map<(d0, d1) -> (0, 0, 0, 0)>
#map2 = affine_map<(d0, d1) -> (0, 0, 0)>
module attributes {stable_mosaic.version = 14 : i64} {
  func.func @_sc_agg16_body(%arg0: i32, %arg1: i32, %arg2: memref<10240x16xf32, #tpu.memory_space<hbm>>, %arg3: memref<2x16x10x1024xi32, #tpu.memory_space<hbm>>, %arg4: memref<2x16x10x1024xi32, #tpu.memory_space<hbm>>, %arg5: memref<10240x16xf32, #tpu.memory_space<hbm>>, %arg6: memref<2x10240x16xf32, #tpu.memory_space<hbm>>, %arg7: memref<10x1024xi32, #tpu.memory_space<vmem>>, %arg8: memref<10x1024xi32, #tpu.memory_space<vmem>>, %arg9: memref<1024x16xf32, #tpu.memory_space<vmem>>, %arg10: memref<10240x16xf32, #tpu.memory_space<vmem_shared>>, %arg11: memref<!tpu.dma_semaphore, #tpu.memory_space<semaphore_mem>>) attributes {dimension_semantics = [#tpu.dimension_semantics<core_parallel>, #tpu.dimension_semantics<subcore_parallel>], iteration_bounds = array<i64: 2, 16>, scalar_prefetch = 0 : i64, scratch_operands = 5 : i64, tpu.core_type = #tpu.core_type<sc_vector_subcore>, window_params = [{transform_indices = #map}, {transform_indices = #map1}, {transform_indices = #map1}, {transform_indices = #map}, {transform_indices = #map2}]} {
    %mul3A = arith.constant 640 : i32
    %mul3A_0 = arith.muli %arg1, %mul3A : i32
    "tpu.region"() ({
      %run_scoped3A = tpu.sem_alloc : memref<!tpu.dma_semaphore, #tpu.memory_space<semaphore_mem>>
      %dma_start3A = arith.constant 0 : i32
      %dma_start3A_7 = tpu.memref_slice %arg10[%mul3A_0, %dma_start3A] : memref<10240x16xf32, #tpu.memory_space<vmem_shared>> -> memref<640x16xf32, #tpu.memory_space<vmem_shared>>
      %dma_start3A_8 = arith.constant 0 : i32
      %dma_start3A_9 = tpu.memref_slice %arg5[%mul3A_0, %dma_start3A_8] : memref<10240x16xf32, #tpu.memory_space<hbm>> -> memref<640x16xf32, #tpu.memory_space<hbm>>
      tpu.enqueue_dma source(%dma_start3A_9 : memref<640x16xf32, #tpu.memory_space<hbm>>) target(%dma_start3A_7 : memref<640x16xf32, #tpu.memory_space<vmem_shared>>) target_semaphore(%run_scoped3A : memref<!tpu.dma_semaphore, #tpu.memory_space<semaphore_mem>>)
      %dma_wait3A = arith.constant 0 : i32
      %dma_wait3A_10 = tpu.memref_slice %arg10[%mul3A_0, %dma_wait3A] : memref<10240x16xf32, #tpu.memory_space<vmem_shared>> -> memref<640x16xf32, #tpu.memory_space<vmem_shared>>
      %dma_wait3A_11 = arith.constant 0 : i32
      %dma_wait3A_12 = tpu.memref_slice %arg5[%mul3A_0, %dma_wait3A_11] : memref<10240x16xf32, #tpu.memory_space<hbm>> -> memref<640x16xf32, #tpu.memory_space<hbm>>
      tpu.wait_dma2 semaphore(%run_scoped3A : memref<!tpu.dma_semaphore, #tpu.memory_space<semaphore_mem>>) src(%dma_wait3A_12 : memref<640x16xf32, #tpu.memory_space<hbm>>) dst(%dma_wait3A_10 : memref<640x16xf32, #tpu.memory_space<vmem_shared>>)
      tpu.yield
    }) : () -> ()
    "tpu.region"() ({
      %run_scoped3A = tpu.sem_alloc : memref<!tpu.dma_semaphore, #tpu.memory_space<semaphore_mem>>
      %dma_start3A = arith.constant 0 : i32
      %dma_start3A_7 = arith.constant 0 : i32
      %dma_start3A_8 = tpu.memref_slice %arg3[%arg0, %arg1, %dma_start3A, %dma_start3A_7] : memref<2x16x10x1024xi32, #tpu.memory_space<hbm>> -> memref<1x1x10x1024xi32, #tpu.memory_space<hbm>>
      %dma_start3A_9 = tpu.memref_squeeze %dma_start3A_8 : memref<1x1x10x1024xi32, #tpu.memory_space<hbm>> -> memref<10x1024xi32, #tpu.memory_space<hbm>>
      %dma_start3A_10 = arith.constant 0 : i32
      %dma_start3A_11 = arith.constant 0 : i32
      %dma_start3A_12 = tpu.memref_slice %arg3[%arg0, %arg1, %dma_start3A_10, %dma_start3A_11] : memref<2x16x10x1024xi32, #tpu.memory_space<hbm>> -> memref<1x1x10x1024xi32, #tpu.memory_space<hbm>>
      %dma_start3A_13 = tpu.memref_squeeze %dma_start3A_12 : memref<1x1x10x1024xi32, #tpu.memory_space<hbm>> -> memref<10x1024xi32, #tpu.memory_space<hbm>>
      tpu.enqueue_dma source(%dma_start3A_13 : memref<10x1024xi32, #tpu.memory_space<hbm>>) target(%arg7 : memref<10x1024xi32, #tpu.memory_space<vmem>>) target_semaphore(%run_scoped3A : memref<!tpu.dma_semaphore, #tpu.memory_space<semaphore_mem>>)
      %dma_wait3A = arith.constant 0 : i32
      %dma_wait3A_14 = arith.constant 0 : i32
      %dma_wait3A_15 = tpu.memref_slice %arg3[%arg0, %arg1, %dma_wait3A, %dma_wait3A_14] : memref<2x16x10x1024xi32, #tpu.memory_space<hbm>> -> memref<1x1x10x1024xi32, #tpu.memory_space<hbm>>
      %dma_wait3A_16 = tpu.memref_squeeze %dma_wait3A_15 : memref<1x1x10x1024xi32, #tpu.memory_space<hbm>> -> memref<10x1024xi32, #tpu.memory_space<hbm>>
      %dma_wait3A_17 = arith.constant 0 : i32
      %dma_wait3A_18 = arith.constant 0 : i32
      %dma_wait3A_19 = tpu.memref_slice %arg3[%arg0, %arg1, %dma_wait3A_17, %dma_wait3A_18] : memref<2x16x10x1024xi32, #tpu.memory_space<hbm>> -> memref<1x1x10x1024xi32, #tpu.memory_space<hbm>>
      %dma_wait3A_20 = tpu.memref_squeeze %dma_wait3A_19 : memref<1x1x10x1024xi32, #tpu.memory_space<hbm>> -> memref<10x1024xi32, #tpu.memory_space<hbm>>
      tpu.wait_dma2 semaphore(%run_scoped3A : memref<!tpu.dma_semaphore, #tpu.memory_space<semaphore_mem>>) src(%dma_wait3A_20 : memref<10x1024xi32, #tpu.memory_space<hbm>>) dst(%arg7 : memref<10x1024xi32, #tpu.memory_space<vmem>>)
      tpu.yield
    }) : () -> ()
    "tpu.region"() ({
      %run_scoped3A = tpu.sem_alloc : memref<!tpu.dma_semaphore, #tpu.memory_space<semaphore_mem>>
      %dma_start3A = arith.constant 0 : i32
      %dma_start3A_7 = arith.constant 0 : i32
      %dma_start3A_8 = tpu.memref_slice %arg4[%arg0, %arg1, %dma_start3A, %dma_start3A_7] : memref<2x16x10x1024xi32, #tpu.memory_space<hbm>> -> memref<1x1x10x1024xi32, #tpu.memory_space<hbm>>
      %dma_start3A_9 = tpu.memref_squeeze %dma_start3A_8 : memref<1x1x10x1024xi32, #tpu.memory_space<hbm>> -> memref<10x1024xi32, #tpu.memory_space<hbm>>
      %dma_start3A_10 = arith.constant 0 : i32
      %dma_start3A_11 = arith.constant 0 : i32
      %dma_start3A_12 = tpu.memref_slice %arg4[%arg0, %arg1, %dma_start3A_10, %dma_start3A_11] : memref<2x16x10x1024xi32, #tpu.memory_space<hbm>> -> memref<1x1x10x1024xi32, #tpu.memory_space<hbm>>
      %dma_start3A_13 = tpu.memref_squeeze %dma_start3A_12 : memref<1x1x10x1024xi32, #tpu.memory_space<hbm>> -> memref<10x1024xi32, #tpu.memory_space<hbm>>
      tpu.enqueue_dma source(%dma_start3A_13 : memref<10x1024xi32, #tpu.memory_space<hbm>>) target(%arg8 : memref<10x1024xi32, #tpu.memory_space<vmem>>) target_semaphore(%run_scoped3A : memref<!tpu.dma_semaphore, #tpu.memory_space<semaphore_mem>>)
      %dma_wait3A = arith.constant 0 : i32
      %dma_wait3A_14 = arith.constant 0 : i32
      %dma_wait3A_15 = tpu.memref_slice %arg4[%arg0, %arg1, %dma_wait3A, %dma_wait3A_14] : memref<2x16x10x1024xi32, #tpu.memory_space<hbm>> -> memref<1x1x10x1024xi32, #tpu.memory_space<hbm>>
      %dma_wait3A_16 = tpu.memref_squeeze %dma_wait3A_15 : memref<1x1x10x1024xi32, #tpu.memory_space<hbm>> -> memref<10x1024xi32, #tpu.memory_space<hbm>>
      %dma_wait3A_17 = arith.constant 0 : i32
      %dma_wait3A_18 = arith.constant 0 : i32
      %dma_wait3A_19 = tpu.memref_slice %arg4[%arg0, %arg1, %dma_wait3A_17, %dma_wait3A_18] : memref<2x16x10x1024xi32, #tpu.memory_space<hbm>> -> memref<1x1x10x1024xi32, #tpu.memory_space<hbm>>
      %dma_wait3A_20 = tpu.memref_squeeze %dma_wait3A_19 : memref<1x1x10x1024xi32, #tpu.memory_space<hbm>> -> memref<10x1024xi32, #tpu.memory_space<hbm>>
      tpu.wait_dma2 semaphore(%run_scoped3A : memref<!tpu.dma_semaphore, #tpu.memory_space<semaphore_mem>>) src(%dma_wait3A_20 : memref<10x1024xi32, #tpu.memory_space<hbm>>) dst(%arg8 : memref<10x1024xi32, #tpu.memory_space<vmem>>)
      tpu.yield
    }) : () -> ()
    %barrier3A = arith.constant 0 : index
    tpu.barrier barrier_id(%barrier3A)
    %scan3A = arith.constant 0 : i32
    %scan3A_1 = arith.constant 0 : i32
    %scan3A_2 = arith.constant 10 : i32
    %scan3A_3 = arith.addi %scan3A_1, %scan3A_2 : i32
    %scan3A_4 = arith.constant 1 : i32
    scf.for %scan3A_7 = %scan3A_1 to %scan3A_3 step %scan3A_4  : i32 {
      %dma_start3A = arith.constant 0 : i32
      %dma_start3A_8 = tpu.memref_slice %arg7[%scan3A_7, %dma_start3A] : memref<10x1024xi32, #tpu.memory_space<vmem>> -> memref<1x1024xi32, #tpu.memory_space<vmem>>
      %dma_start3A_9 = tpu.memref_squeeze %dma_start3A_8 : memref<1x1024xi32, #tpu.memory_space<vmem>> -> memref<1024xi32, #tpu.memory_space<vmem>>
      %dma_start3A_10 = arith.constant 0 : i32
      %dma_start3A_11 = arith.constant 0 : i32
      %dma_start3A_12 = tpu.memref_slice %arg2[%dma_start3A_10, %dma_start3A_11] : memref<10240x16xf32, #tpu.memory_space<hbm>> -> memref<10240x16xf32, #tpu.memory_space<hbm>>
      tpu.enqueue_indirect_dma source(%dma_start3A_12 : memref<10240x16xf32, #tpu.memory_space<hbm>>) target(%arg9 : memref<1024x16xf32, #tpu.memory_space<vmem>>) offsets(%dma_start3A_9 : memref<1024xi32, #tpu.memory_space<vmem>>) semaphore(%arg11 : memref<!tpu.dma_semaphore, #tpu.memory_space<semaphore_mem>>)
      %dma_wait3A = arith.constant 0 : i32
      %dma_wait3A_13 = tpu.memref_slice %arg7[%scan3A_7, %dma_wait3A] : memref<10x1024xi32, #tpu.memory_space<vmem>> -> memref<1x1024xi32, #tpu.memory_space<vmem>>
      %dma_wait3A_14 = tpu.memref_squeeze %dma_wait3A_13 : memref<1x1024xi32, #tpu.memory_space<vmem>> -> memref<1024xi32, #tpu.memory_space<vmem>>
      %dma_wait3A_15 = arith.constant 0 : i32
      %dma_wait3A_16 = arith.constant 0 : i32
      %dma_wait3A_17 = tpu.memref_slice %arg2[%dma_wait3A_15, %dma_wait3A_16] : memref<10240x16xf32, #tpu.memory_space<hbm>> -> memref<10240x16xf32, #tpu.memory_space<hbm>>
      tpu.wait_indirect_dma semaphore(%arg11 : memref<!tpu.dma_semaphore, #tpu.memory_space<semaphore_mem>>) src(%dma_wait3A_17 : memref<10240x16xf32, #tpu.memory_space<hbm>>) dst(%arg9 : memref<1024x16xf32, #tpu.memory_space<vmem>>)
      "tpu.region"() ({
        %run_scoped3A = tpu.sem_alloc : memref<!tpu.dma_semaphore, #tpu.memory_space<semaphore_mem>>
        %dma_start3A_18 = arith.constant 0 : i32
        %dma_start3A_19 = tpu.memref_slice %arg8[%scan3A_7, %dma_start3A_18] : memref<10x1024xi32, #tpu.memory_space<vmem>> -> memref<1x1024xi32, #tpu.memory_space<vmem>>
        %dma_start3A_20 = tpu.memref_squeeze %dma_start3A_19 : memref<1x1024xi32, #tpu.memory_space<vmem>> -> memref<1024xi32, #tpu.memory_space<vmem>>
        %dma_start3A_21 = arith.constant 0 : i32
        %dma_start3A_22 = arith.constant 0 : i32
        %dma_start3A_23 = tpu.memref_slice %arg10[%dma_start3A_21, %dma_start3A_22] : memref<10240x16xf32, #tpu.memory_space<vmem_shared>> -> memref<10240x16xf32, #tpu.memory_space<vmem_shared>>
        tpu.enqueue_indirect_dma source(%arg9 : memref<1024x16xf32, #tpu.memory_space<vmem>>) target(%dma_start3A_23 : memref<10240x16xf32, #tpu.memory_space<vmem_shared>>) offsets(%dma_start3A_20 : memref<1024xi32, #tpu.memory_space<vmem>>) semaphore(%run_scoped3A : memref<!tpu.dma_semaphore, #tpu.memory_space<semaphore_mem>>) {add = true}
        %dma_wait3A_24 = arith.constant 0 : i32
        %dma_wait3A_25 = tpu.memref_slice %arg8[%scan3A_7, %dma_wait3A_24] : memref<10x1024xi32, #tpu.memory_space<vmem>> -> memref<1x1024xi32, #tpu.memory_space<vmem>>
        %dma_wait3A_26 = tpu.memref_squeeze %dma_wait3A_25 : memref<1x1024xi32, #tpu.memory_space<vmem>> -> memref<1024xi32, #tpu.memory_space<vmem>>
        %dma_wait3A_27 = arith.constant 0 : i32
        %dma_wait3A_28 = arith.constant 0 : i32
        %dma_wait3A_29 = tpu.memref_slice %arg10[%dma_wait3A_27, %dma_wait3A_28] : memref<10240x16xf32, #tpu.memory_space<vmem_shared>> -> memref<10240x16xf32, #tpu.memory_space<vmem_shared>>
        tpu.wait_indirect_dma semaphore(%run_scoped3A : memref<!tpu.dma_semaphore, #tpu.memory_space<semaphore_mem>>) src(%arg9 : memref<1024x16xf32, #tpu.memory_space<vmem>>) dst(%dma_wait3A_29 : memref<10240x16xf32, #tpu.memory_space<vmem_shared>>)
        tpu.yield
      }) : () -> ()
    }
    %scan3A_5 = arith.constant 10 : i32
    %barrier3A_6 = arith.constant 0 : index
    tpu.barrier barrier_id(%barrier3A_6)
    "tpu.region"() ({
      %run_scoped3A = tpu.sem_alloc : memref<!tpu.dma_semaphore, #tpu.memory_space<semaphore_mem>>
      %dma_start3A = arith.constant 0 : i32
      %dma_start3A_7 = tpu.memref_slice %arg6[%arg0, %mul3A_0, %dma_start3A] : memref<2x10240x16xf32, #tpu.memory_space<hbm>> -> memref<1x640x16xf32, #tpu.memory_space<hbm>>
      %dma_start3A_8 = tpu.memref_squeeze %dma_start3A_7 : memref<1x640x16xf32, #tpu.memory_space<hbm>> -> memref<640x16xf32, #tpu.memory_space<hbm>>
      %dma_start3A_9 = arith.constant 0 : i32
      %dma_start3A_10 = tpu.memref_slice %arg10[%mul3A_0, %dma_start3A_9] : memref<10240x16xf32, #tpu.memory_space<vmem_shared>> -> memref<640x16xf32, #tpu.memory_space<vmem_shared>>
      tpu.enqueue_dma source(%dma_start3A_10 : memref<640x16xf32, #tpu.memory_space<vmem_shared>>) target(%dma_start3A_8 : memref<640x16xf32, #tpu.memory_space<hbm>>) target_semaphore(%run_scoped3A : memref<!tpu.dma_semaphore, #tpu.memory_space<semaphore_mem>>)
      %dma_wait3A = arith.constant 0 : i32
      %dma_wait3A_11 = tpu.memref_slice %arg6[%arg0, %mul3A_0, %dma_wait3A] : memref<2x10240x16xf32, #tpu.memory_space<hbm>> -> memref<1x640x16xf32, #tpu.memory_space<hbm>>
      %dma_wait3A_12 = tpu.memref_squeeze %dma_wait3A_11 : memref<1x640x16xf32, #tpu.memory_space<hbm>> -> memref<640x16xf32, #tpu.memory_space<hbm>>
      %dma_wait3A_13 = arith.constant 0 : i32
      %dma_wait3A_14 = tpu.memref_slice %arg10[%mul3A_0, %dma_wait3A_13] : memref<10240x16xf32, #tpu.memory_space<vmem_shared>> -> memref<640x16xf32, #tpu.memory_space<vmem_shared>>
      tpu.wait_dma2 semaphore(%run_scoped3A : memref<!tpu.dma_semaphore, #tpu.memory_space<semaphore_mem>>) src(%dma_wait3A_14 : memref<640x16xf32, #tpu.memory_space<vmem_shared>>) dst(%dma_wait3A_12 : memref<640x16xf32, #tpu.memory_space<hbm>>)
      tpu.yield
    }) : () -> ()
    return
  }
}

#map = affine_map<(d0, d1) -> (0, 0)>
#map1 = affine_map<(d0, d1) -> (0, 0, 0, 0)>
#map2 = affine_map<(d0, d1) -> (0, 0, 0)>
module attributes {stable_mosaic.version = 14 : i64} {
  func.func @_sc_agg_big_body(%arg0: i32, %arg1: i32, %arg2: memref<20000x64xf32, #tpu.memory_space<hbm>>, %arg3: memref<2x16x250x80xi32, #tpu.memory_space<hbm>>, %arg4: memref<16x250x80xi32, #tpu.memory_space<hbm>>, %arg5: memref<10240x64xf32, #tpu.memory_space<hbm>>, %arg6: memref<10240x128xf32, #tpu.memory_space<hbm>>, %arg7: memref<250x80xi32, #tpu.memory_space<vmem>>, %arg8: memref<250x80xi32, #tpu.memory_space<vmem>>, %arg9: memref<80x64xf32, #tpu.memory_space<vmem>>, %arg10: memref<10240x64xf32, #tpu.memory_space<vmem_shared>>, %arg11: memref<!tpu.dma_semaphore, #tpu.memory_space<semaphore_mem>>) attributes {dimension_semantics = [#tpu.dimension_semantics<core_parallel>, #tpu.dimension_semantics<subcore_parallel>], iteration_bounds = array<i64: 2, 16>, scalar_prefetch = 0 : i64, scratch_operands = 5 : i64, tpu.core_type = #tpu.core_type<sc_vector_subcore>, window_params = [{transform_indices = #map}, {transform_indices = #map1}, {transform_indices = #map2}, {transform_indices = #map}, {transform_indices = #map}]} {
    %mul3A = arith.constant 640 : i32
    %mul3A_0 = arith.muli %arg1, %mul3A : i32
    "tpu.region"() ({
      %run_scoped3A = tpu.sem_alloc : memref<!tpu.dma_semaphore, #tpu.memory_space<semaphore_mem>>
      %dma_start3A = arith.constant 0 : i32
      %dma_start3A_9 = tpu.memref_slice %arg10[%mul3A_0, %dma_start3A] : memref<10240x64xf32, #tpu.memory_space<vmem_shared>> -> memref<640x64xf32, #tpu.memory_space<vmem_shared>>
      %dma_start3A_10 = arith.constant 0 : i32
      %dma_start3A_11 = tpu.memref_slice %arg5[%mul3A_0, %dma_start3A_10] : memref<10240x64xf32, #tpu.memory_space<hbm>> -> memref<640x64xf32, #tpu.memory_space<hbm>>
      tpu.enqueue_dma source(%dma_start3A_11 : memref<640x64xf32, #tpu.memory_space<hbm>>) target(%dma_start3A_9 : memref<640x64xf32, #tpu.memory_space<vmem_shared>>) target_semaphore(%run_scoped3A : memref<!tpu.dma_semaphore, #tpu.memory_space<semaphore_mem>>)
      %dma_wait3A = arith.constant 0 : i32
      %dma_wait3A_12 = tpu.memref_slice %arg10[%mul3A_0, %dma_wait3A] : memref<10240x64xf32, #tpu.memory_space<vmem_shared>> -> memref<640x64xf32, #tpu.memory_space<vmem_shared>>
      %dma_wait3A_13 = arith.constant 0 : i32
      %dma_wait3A_14 = tpu.memref_slice %arg5[%mul3A_0, %dma_wait3A_13] : memref<10240x64xf32, #tpu.memory_space<hbm>> -> memref<640x64xf32, #tpu.memory_space<hbm>>
      tpu.wait_dma2 semaphore(%run_scoped3A : memref<!tpu.dma_semaphore, #tpu.memory_space<semaphore_mem>>) src(%dma_wait3A_14 : memref<640x64xf32, #tpu.memory_space<hbm>>) dst(%dma_wait3A_12 : memref<640x64xf32, #tpu.memory_space<vmem_shared>>)
      tpu.yield
    }) : () -> ()
    "tpu.region"() ({
      %run_scoped3A = tpu.sem_alloc : memref<!tpu.dma_semaphore, #tpu.memory_space<semaphore_mem>>
      %dma_start3A = arith.constant 0 : i32
      %dma_start3A_9 = arith.constant 0 : i32
      %dma_start3A_10 = tpu.memref_slice %arg3[%arg0, %arg1, %dma_start3A, %dma_start3A_9] : memref<2x16x250x80xi32, #tpu.memory_space<hbm>> -> memref<1x1x250x80xi32, #tpu.memory_space<hbm>>
      %dma_start3A_11 = tpu.memref_squeeze %dma_start3A_10 : memref<1x1x250x80xi32, #tpu.memory_space<hbm>> -> memref<250x80xi32, #tpu.memory_space<hbm>>
      %dma_start3A_12 = arith.constant 0 : i32
      %dma_start3A_13 = arith.constant 0 : i32
      %dma_start3A_14 = tpu.memref_slice %arg3[%arg0, %arg1, %dma_start3A_12, %dma_start3A_13] : memref<2x16x250x80xi32, #tpu.memory_space<hbm>> -> memref<1x1x250x80xi32, #tpu.memory_space<hbm>>
      %dma_start3A_15 = tpu.memref_squeeze %dma_start3A_14 : memref<1x1x250x80xi32, #tpu.memory_space<hbm>> -> memref<250x80xi32, #tpu.memory_space<hbm>>
      tpu.enqueue_dma source(%dma_start3A_15 : memref<250x80xi32, #tpu.memory_space<hbm>>) target(%arg7 : memref<250x80xi32, #tpu.memory_space<vmem>>) target_semaphore(%run_scoped3A : memref<!tpu.dma_semaphore, #tpu.memory_space<semaphore_mem>>)
      %dma_wait3A = arith.constant 0 : i32
      %dma_wait3A_16 = arith.constant 0 : i32
      %dma_wait3A_17 = tpu.memref_slice %arg3[%arg0, %arg1, %dma_wait3A, %dma_wait3A_16] : memref<2x16x250x80xi32, #tpu.memory_space<hbm>> -> memref<1x1x250x80xi32, #tpu.memory_space<hbm>>
      %dma_wait3A_18 = tpu.memref_squeeze %dma_wait3A_17 : memref<1x1x250x80xi32, #tpu.memory_space<hbm>> -> memref<250x80xi32, #tpu.memory_space<hbm>>
      %dma_wait3A_19 = arith.constant 0 : i32
      %dma_wait3A_20 = arith.constant 0 : i32
      %dma_wait3A_21 = tpu.memref_slice %arg3[%arg0, %arg1, %dma_wait3A_19, %dma_wait3A_20] : memref<2x16x250x80xi32, #tpu.memory_space<hbm>> -> memref<1x1x250x80xi32, #tpu.memory_space<hbm>>
      %dma_wait3A_22 = tpu.memref_squeeze %dma_wait3A_21 : memref<1x1x250x80xi32, #tpu.memory_space<hbm>> -> memref<250x80xi32, #tpu.memory_space<hbm>>
      tpu.wait_dma2 semaphore(%run_scoped3A : memref<!tpu.dma_semaphore, #tpu.memory_space<semaphore_mem>>) src(%dma_wait3A_22 : memref<250x80xi32, #tpu.memory_space<hbm>>) dst(%arg7 : memref<250x80xi32, #tpu.memory_space<vmem>>)
      tpu.yield
    }) : () -> ()
    "tpu.region"() ({
      %run_scoped3A = tpu.sem_alloc : memref<!tpu.dma_semaphore, #tpu.memory_space<semaphore_mem>>
      %dma_start3A = arith.constant 0 : i32
      %dma_start3A_9 = arith.constant 0 : i32
      %dma_start3A_10 = tpu.memref_slice %arg4[%arg1, %dma_start3A, %dma_start3A_9] : memref<16x250x80xi32, #tpu.memory_space<hbm>> -> memref<1x250x80xi32, #tpu.memory_space<hbm>>
      %dma_start3A_11 = tpu.memref_squeeze %dma_start3A_10 : memref<1x250x80xi32, #tpu.memory_space<hbm>> -> memref<250x80xi32, #tpu.memory_space<hbm>>
      %dma_start3A_12 = arith.constant 0 : i32
      %dma_start3A_13 = arith.constant 0 : i32
      %dma_start3A_14 = tpu.memref_slice %arg4[%arg1, %dma_start3A_12, %dma_start3A_13] : memref<16x250x80xi32, #tpu.memory_space<hbm>> -> memref<1x250x80xi32, #tpu.memory_space<hbm>>
      %dma_start3A_15 = tpu.memref_squeeze %dma_start3A_14 : memref<1x250x80xi32, #tpu.memory_space<hbm>> -> memref<250x80xi32, #tpu.memory_space<hbm>>
      tpu.enqueue_dma source(%dma_start3A_15 : memref<250x80xi32, #tpu.memory_space<hbm>>) target(%arg8 : memref<250x80xi32, #tpu.memory_space<vmem>>) target_semaphore(%run_scoped3A : memref<!tpu.dma_semaphore, #tpu.memory_space<semaphore_mem>>)
      %dma_wait3A = arith.constant 0 : i32
      %dma_wait3A_16 = arith.constant 0 : i32
      %dma_wait3A_17 = tpu.memref_slice %arg4[%arg1, %dma_wait3A, %dma_wait3A_16] : memref<16x250x80xi32, #tpu.memory_space<hbm>> -> memref<1x250x80xi32, #tpu.memory_space<hbm>>
      %dma_wait3A_18 = tpu.memref_squeeze %dma_wait3A_17 : memref<1x250x80xi32, #tpu.memory_space<hbm>> -> memref<250x80xi32, #tpu.memory_space<hbm>>
      %dma_wait3A_19 = arith.constant 0 : i32
      %dma_wait3A_20 = arith.constant 0 : i32
      %dma_wait3A_21 = tpu.memref_slice %arg4[%arg1, %dma_wait3A_19, %dma_wait3A_20] : memref<16x250x80xi32, #tpu.memory_space<hbm>> -> memref<1x250x80xi32, #tpu.memory_space<hbm>>
      %dma_wait3A_22 = tpu.memref_squeeze %dma_wait3A_21 : memref<1x250x80xi32, #tpu.memory_space<hbm>> -> memref<250x80xi32, #tpu.memory_space<hbm>>
      tpu.wait_dma2 semaphore(%run_scoped3A : memref<!tpu.dma_semaphore, #tpu.memory_space<semaphore_mem>>) src(%dma_wait3A_22 : memref<250x80xi32, #tpu.memory_space<hbm>>) dst(%arg8 : memref<250x80xi32, #tpu.memory_space<vmem>>)
      tpu.yield
    }) : () -> ()
    %barrier3A = arith.constant 0 : index
    tpu.barrier barrier_id(%barrier3A)
    %scan3A = arith.constant 0 : i32
    %scan3A_1 = arith.constant 0 : i32
    %scan3A_2 = arith.constant 250 : i32
    %scan3A_3 = arith.addi %scan3A_1, %scan3A_2 : i32
    %scan3A_4 = arith.constant 1 : i32
    scf.for %scan3A_9 = %scan3A_1 to %scan3A_3 step %scan3A_4  : i32 {
      %dma_start3A = arith.constant 0 : i32
      %dma_start3A_10 = tpu.memref_slice %arg7[%scan3A_9, %dma_start3A] : memref<250x80xi32, #tpu.memory_space<vmem>> -> memref<1x80xi32, #tpu.memory_space<vmem>>
      %dma_start3A_11 = tpu.memref_squeeze %dma_start3A_10 : memref<1x80xi32, #tpu.memory_space<vmem>> -> memref<80xi32, #tpu.memory_space<vmem>>
      %dma_start3A_12 = arith.constant 0 : i32
      %dma_start3A_13 = arith.constant 0 : i32
      %dma_start3A_14 = tpu.memref_slice %arg2[%dma_start3A_12, %dma_start3A_13] : memref<20000x64xf32, #tpu.memory_space<hbm>> -> memref<20000x64xf32, #tpu.memory_space<hbm>>
      tpu.enqueue_indirect_dma source(%dma_start3A_14 : memref<20000x64xf32, #tpu.memory_space<hbm>>) target(%arg9 : memref<80x64xf32, #tpu.memory_space<vmem>>) offsets(%dma_start3A_11 : memref<80xi32, #tpu.memory_space<vmem>>) semaphore(%arg11 : memref<!tpu.dma_semaphore, #tpu.memory_space<semaphore_mem>>)
      %dma_wait3A = arith.constant 0 : i32
      %dma_wait3A_15 = tpu.memref_slice %arg7[%scan3A_9, %dma_wait3A] : memref<250x80xi32, #tpu.memory_space<vmem>> -> memref<1x80xi32, #tpu.memory_space<vmem>>
      %dma_wait3A_16 = tpu.memref_squeeze %dma_wait3A_15 : memref<1x80xi32, #tpu.memory_space<vmem>> -> memref<80xi32, #tpu.memory_space<vmem>>
      %dma_wait3A_17 = arith.constant 0 : i32
      %dma_wait3A_18 = arith.constant 0 : i32
      %dma_wait3A_19 = tpu.memref_slice %arg2[%dma_wait3A_17, %dma_wait3A_18] : memref<20000x64xf32, #tpu.memory_space<hbm>> -> memref<20000x64xf32, #tpu.memory_space<hbm>>
      tpu.wait_indirect_dma semaphore(%arg11 : memref<!tpu.dma_semaphore, #tpu.memory_space<semaphore_mem>>) src(%dma_wait3A_19 : memref<20000x64xf32, #tpu.memory_space<hbm>>) dst(%arg9 : memref<80x64xf32, #tpu.memory_space<vmem>>)
      "tpu.region"() ({
        %run_scoped3A = tpu.sem_alloc : memref<!tpu.dma_semaphore, #tpu.memory_space<semaphore_mem>>
        %dma_start3A_20 = arith.constant 0 : i32
        %dma_start3A_21 = tpu.memref_slice %arg8[%scan3A_9, %dma_start3A_20] : memref<250x80xi32, #tpu.memory_space<vmem>> -> memref<1x80xi32, #tpu.memory_space<vmem>>
        %dma_start3A_22 = tpu.memref_squeeze %dma_start3A_21 : memref<1x80xi32, #tpu.memory_space<vmem>> -> memref<80xi32, #tpu.memory_space<vmem>>
        %dma_start3A_23 = arith.constant 0 : i32
        %dma_start3A_24 = arith.constant 0 : i32
        %dma_start3A_25 = tpu.memref_slice %arg10[%dma_start3A_23, %dma_start3A_24] : memref<10240x64xf32, #tpu.memory_space<vmem_shared>> -> memref<10240x64xf32, #tpu.memory_space<vmem_shared>>
        tpu.enqueue_indirect_dma source(%arg9 : memref<80x64xf32, #tpu.memory_space<vmem>>) target(%dma_start3A_25 : memref<10240x64xf32, #tpu.memory_space<vmem_shared>>) offsets(%dma_start3A_22 : memref<80xi32, #tpu.memory_space<vmem>>) semaphore(%run_scoped3A : memref<!tpu.dma_semaphore, #tpu.memory_space<semaphore_mem>>) {add = true}
        %dma_wait3A_26 = arith.constant 0 : i32
        %dma_wait3A_27 = tpu.memref_slice %arg8[%scan3A_9, %dma_wait3A_26] : memref<250x80xi32, #tpu.memory_space<vmem>> -> memref<1x80xi32, #tpu.memory_space<vmem>>
        %dma_wait3A_28 = tpu.memref_squeeze %dma_wait3A_27 : memref<1x80xi32, #tpu.memory_space<vmem>> -> memref<80xi32, #tpu.memory_space<vmem>>
        %dma_wait3A_29 = arith.constant 0 : i32
        %dma_wait3A_30 = arith.constant 0 : i32
        %dma_wait3A_31 = tpu.memref_slice %arg10[%dma_wait3A_29, %dma_wait3A_30] : memref<10240x64xf32, #tpu.memory_space<vmem_shared>> -> memref<10240x64xf32, #tpu.memory_space<vmem_shared>>
        tpu.wait_indirect_dma semaphore(%run_scoped3A : memref<!tpu.dma_semaphore, #tpu.memory_space<semaphore_mem>>) src(%arg9 : memref<80x64xf32, #tpu.memory_space<vmem>>) dst(%dma_wait3A_31 : memref<10240x64xf32, #tpu.memory_space<vmem_shared>>)
        tpu.yield
      }) : () -> ()
    }
    %scan3A_5 = arith.constant 250 : i32
    %barrier3A_6 = arith.constant 0 : index
    tpu.barrier barrier_id(%barrier3A_6)
    %mul3A_7 = arith.constant 64 : i32
    %mul3A_8 = arith.muli %arg0, %mul3A_7 : i32
    "tpu.region"() ({
      %run_scoped3A = tpu.sem_alloc : memref<!tpu.dma_semaphore, #tpu.memory_space<semaphore_mem>>
      %dma_start3A = tpu.memref_slice %arg6[%mul3A_0, %mul3A_8] : memref<10240x128xf32, #tpu.memory_space<hbm>> -> memref<640x64xf32, #tpu.memory_space<hbm>>
      %dma_start3A_9 = arith.constant 0 : i32
      %dma_start3A_10 = tpu.memref_slice %arg10[%mul3A_0, %dma_start3A_9] : memref<10240x64xf32, #tpu.memory_space<vmem_shared>> -> memref<640x64xf32, #tpu.memory_space<vmem_shared>>
      tpu.enqueue_dma source(%dma_start3A_10 : memref<640x64xf32, #tpu.memory_space<vmem_shared>>) target(%dma_start3A : memref<640x64xf32, #tpu.memory_space<hbm>>) target_semaphore(%run_scoped3A : memref<!tpu.dma_semaphore, #tpu.memory_space<semaphore_mem>>)
      %dma_wait3A = tpu.memref_slice %arg6[%mul3A_0, %mul3A_8] : memref<10240x128xf32, #tpu.memory_space<hbm>> -> memref<640x64xf32, #tpu.memory_space<hbm>>
      %dma_wait3A_11 = arith.constant 0 : i32
      %dma_wait3A_12 = tpu.memref_slice %arg10[%mul3A_0, %dma_wait3A_11] : memref<10240x64xf32, #tpu.memory_space<vmem_shared>> -> memref<640x64xf32, #tpu.memory_space<vmem_shared>>
      tpu.wait_dma2 semaphore(%run_scoped3A : memref<!tpu.dma_semaphore, #tpu.memory_space<semaphore_mem>>) src(%dma_wait3A_12 : memref<640x64xf32, #tpu.memory_space<vmem_shared>>) dst(%dma_wait3A : memref<640x64xf32, #tpu.memory_space<hbm>>)
      tpu.yield
    }) : () -> ()
    return
  }
}

module attributes {stable_mosaic.version = 14 : i64} {
  func.func @_tc1_body(%arg0: memref<2x10240x16xf32, #tpu.memory_space<vmem>>, %arg1: memref<10000x128xf32, #tpu.memory_space<vmem>>, %arg2: memref<128x128xf32, #tpu.memory_space<vmem>>, %arg3: memref<2500x128xi32, #tpu.memory_space<vmem>>, %arg4: memref<10000x1xf32, #tpu.memory_space<vmem>>, %arg5: memref<10000x128xf32, #tpu.memory_space<vmem>>, %arg6: memref<2x2500x128xi32, #tpu.memory_space<vmem>>) attributes {dimension_semantics = [], scalar_prefetch = 0 : i64, scratch_operands = 0 : i64, tpu.core_type = #tpu.core_type<tc>} {
    %get3A = arith.constant 0 : index
    %get3A_0 = arith.constant 0 : index
    %get3A_1 = arith.constant 0 : index
    %get3A_2 = vector.load %arg0[%get3A, %get3A_0, %get3A_1] : memref<2x10240x16xf32, #tpu.memory_space<vmem>>, vector<2x10240x16xf32>
    %slice3A = vector.extract_strided_slice %get3A_2 {offsets = [0, 0, 0], sizes = [1, 10240, 16], strides = [1, 1, 1]} : vector<2x10240x16xf32> to vector<1x10240x16xf32>
    %squeeze3A = vector.shape_cast %slice3A : vector<1x10240x16xf32> to vector<10240x16xf32>
    %slice3A_3 = vector.extract_strided_slice %squeeze3A {offsets = [0, 0], sizes = [10000, 1], strides = [1, 1]} : vector<10240x16xf32> to vector<10000x1xf32>
    %slice3A_4 = vector.extract_strided_slice %get3A_2 {offsets = [1, 0, 0], sizes = [1, 10240, 16], strides = [1, 1, 1]} : vector<2x10240x16xf32> to vector<1x10240x16xf32>
    %squeeze3A_5 = vector.shape_cast %slice3A_4 : vector<1x10240x16xf32> to vector<10240x16xf32>
    %slice3A_6 = vector.extract_strided_slice %squeeze3A_5 {offsets = [0, 0], sizes = [10000, 1], strides = [1, 1]} : vector<10240x16xf32> to vector<10000x1xf32>
    %add3A = arith.addf %slice3A_3, %slice3A_6 : vector<10000x1xf32>
    %add3A_7 = arith.constant 1.000000e+00 : f32
    %add3A_8 = vector.broadcast %add3A_7 : f32 to vector<10000x1xf32>
    %add3A_9 = arith.addf %add3A, %add3A_8 : vector<10000x1xf32>
    %sqrt3A = math.sqrt %add3A_9 : vector<10000x1xf32>
    %div3A = arith.constant 1.000000e+00 : f32
    %div3A_10 = vector.broadcast %div3A : f32 to vector<10000x1xf32>
    %div3A_11 = arith.divf %div3A_10, %sqrt3A : vector<10000x1xf32>
    %swap3A = arith.constant 0 : index
    %swap3A_12 = arith.constant 0 : index
    %swap3A_13 = vector.load %arg4[%swap3A, %swap3A_12] : memref<10000x1xf32, #tpu.memory_space<vmem>>, vector<10000x1xf32>
    tpu.vector_store %arg4[%swap3A, %swap3A_12], %div3A_11 {strides = array<i32>} : memref<10000x1xf32, #tpu.memory_space<vmem>>, vector<10000x1xf32>,
    %get3A_14 = arith.constant 0 : index
    %get3A_15 = arith.constant 0 : index
    %get3A_16 = vector.load %arg1[%get3A_14, %get3A_15] : memref<10000x128xf32, #tpu.memory_space<vmem>>, vector<10000x128xf32>
    %get3A_17 = arith.constant 0 : index
    %get3A_18 = arith.constant 0 : index
    %get3A_19 = vector.load %arg2[%get3A_17, %get3A_18] : memref<128x128xf32, #tpu.memory_space<vmem>>, vector<128x128xf32>
    %dot_general3A = arith.constant dense<0.000000e+00> : vector<10000x128xf32>
    %dot_general3A_20 = tpu.matmul %get3A_16, %get3A_19, %dot_general3A {dimension_numbers = #tpu.dot_dimension_numbers<[1], [0], [0], [1], [0, 0, 1, 1], [], []>, transpose_lhs_hint = false} : vector<10000x128xf32>, vector<128x128xf32>, vector<10000x128xf32> -> vector<10000x128xf32>
    %mul3A = vector.broadcast %div3A_11 : vector<10000x1xf32> to vector<10000x128xf32>
    %mul3A_21 = arith.mulf %dot_general3A_20, %mul3A : vector<10000x128xf32>
    %swap3A_22 = arith.constant 0 : index
    %swap3A_23 = arith.constant 0 : index
    %swap3A_24 = vector.load %arg5[%swap3A_22, %swap3A_23] : memref<10000x128xf32, #tpu.memory_space<vmem>>, vector<10000x128xf32>
    tpu.vector_store %arg5[%swap3A_22, %swap3A_23], %mul3A_21 {strides = array<i32>} : memref<10000x128xf32, #tpu.memory_space<vmem>>, vector<10000x128xf32>,
    %get3A_25 = arith.constant 0 : index
    %get3A_26 = arith.constant 0 : index
    %get3A_27 = vector.load %arg3[%get3A_25, %get3A_26] : memref<2500x128xi32, #tpu.memory_space<vmem>>, vector<2500x128xi32>
    %mul3A_28 = arith.constant 2 : i32
    %mul3A_29 = vector.broadcast %mul3A_28 : i32 to vector<2500x128xi32>
    %mul3A_30 = arith.muli %get3A_27, %mul3A_29 : vector<2500x128xi32>
    %swap3A_31 = arith.constant 0 : index
    %swap3A_32 = arith.constant 0 : index
    %swap3A_33 = arith.constant 0 : index
    %swap3A_34 = vector.load %arg6[%swap3A_31, %swap3A_32, %swap3A_33] : memref<2x2500x128xi32, #tpu.memory_space<vmem>>, vector<1x2500x128xi32>
    %swap3A_35 = vector.shape_cast %swap3A_34 : vector<1x2500x128xi32> to vector<2500x128xi32>
    %swap3A_36 = vector.shape_cast %mul3A_30 : vector<2500x128xi32> to vector<1x2500x128xi32>
    tpu.vector_store %arg6[%swap3A_31, %swap3A_32, %swap3A_33], %swap3A_36 {strides = array<i32>} : memref<2x2500x128xi32, #tpu.memory_space<vmem>>, vector<1x2500x128xi32>,
    %mul3A_37 = arith.constant 2 : i32
    %mul3A_38 = vector.broadcast %mul3A_37 : i32 to vector<2500x128xi32>
    %mul3A_39 = arith.muli %get3A_27, %mul3A_38 : vector<2500x128xi32>
    %add3A_40 = arith.constant 1 : i32
    %add3A_41 = vector.broadcast %add3A_40 : i32 to vector<2500x128xi32>
    %add3A_42 = arith.addi %mul3A_39, %add3A_41 : vector<2500x128xi32>
    %swap3A_43 = arith.constant 1 : index
    %swap3A_44 = arith.constant 0 : index
    %swap3A_45 = arith.constant 0 : index
    %swap3A_46 = vector.load %arg6[%swap3A_43, %swap3A_44, %swap3A_45] : memref<2x2500x128xi32, #tpu.memory_space<vmem>>, vector<1x2500x128xi32>
    %swap3A_47 = vector.shape_cast %swap3A_46 : vector<1x2500x128xi32> to vector<2500x128xi32>
    %swap3A_48 = vector.shape_cast %add3A_42 : vector<2500x128xi32> to vector<1x2500x128xi32>
    tpu.vector_store %arg6[%swap3A_43, %swap3A_44, %swap3A_45], %swap3A_48 {strides = array<i32>} : memref<2x2500x128xi32, #tpu.memory_space<vmem>>, vector<1x2500x128xi32>,
    return
  }
}

module attributes {stable_mosaic.version = 14 : i64} {
  func.func @_tc_mid_body(%arg0: memref<10240x128xf32, #tpu.memory_space<vmem>>, %arg1: memref<10000x128xf32, #tpu.memory_space<vmem>>, %arg2: memref<10000x1xf32, #tpu.memory_space<vmem>>, %arg3: memref<128xf32, #tpu.memory_space<vmem>>, %arg4: memref<128xf32, #tpu.memory_space<vmem>>, %arg5: memref<128xf32, #tpu.memory_space<vmem>>, %arg6: memref<128x128xf32, #tpu.memory_space<vmem>>, %arg7: memref<10000x128xf32, #tpu.memory_space<vmem>>) attributes {dimension_semantics = [], scalar_prefetch = 0 : i64, scratch_operands = 0 : i64, tpu.core_type = #tpu.core_type<tc>} {
    %get3A = arith.constant 0 : index
    %get3A_0 = arith.constant 0 : index
    %get3A_1 = vector.load %arg0[%get3A, %get3A_0] : memref<10240x128xf32, #tpu.memory_space<vmem>>, vector<10000x128xf32>
    %get3A_2 = arith.constant 0 : index
    %get3A_3 = arith.constant 0 : index
    %get3A_4 = vector.load %arg1[%get3A_2, %get3A_3] : memref<10000x128xf32, #tpu.memory_space<vmem>>, vector<10000x128xf32>
    %add3A = arith.addf %get3A_1, %get3A_4 : vector<10000x128xf32>
    %get3A_5 = arith.constant 0 : index
    %get3A_6 = arith.constant 0 : index
    %get3A_7 = vector.load %arg2[%get3A_5, %get3A_6] : memref<10000x1xf32, #tpu.memory_space<vmem>>, vector<10000x1xf32>
    %mul3A = vector.broadcast %get3A_7 : vector<10000x1xf32> to vector<10000x128xf32>
    %mul3A_8 = arith.mulf %add3A, %mul3A : vector<10000x128xf32>
    %get3A_9 = arith.constant 0 : index
    %get3A_10 = vector.load %arg3[%get3A_9] : memref<128xf32, #tpu.memory_space<vmem>>, vector<128xf32>
    %broadcast_in_dim3A = vector.shape_cast %get3A_10 : vector<128xf32> to vector<1x128xf32>
    %add3A_11 = vector.broadcast %broadcast_in_dim3A : vector<1x128xf32> to vector<10000x128xf32>
    %add3A_12 = arith.addf %mul3A_8, %add3A_11 : vector<10000x128xf32>
    %reduce_sum3A = arith.constant dense<0.000000e+00> : vector<128xf32>
    %reduce_sum3A_13 = vector.multi_reduction <add>, %add3A_12, %reduce_sum3A [0] : vector<10000x128xf32> to vector<128xf32>
    %broadcast_in_dim3A_14 = vector.shape_cast %reduce_sum3A_13 : vector<128xf32> to vector<1x128xf32>
    %div3A = arith.constant 1.000000e+04 : f32
    %div3A_15 = vector.broadcast %div3A : f32 to vector<1x128xf32>
    %div3A_16 = arith.divf %broadcast_in_dim3A_14, %div3A_15 : vector<1x128xf32>
    %sub3A = vector.broadcast %div3A_16 : vector<1x128xf32> to vector<10000x128xf32>
    %sub3A_17 = arith.subf %add3A_12, %sub3A : vector<10000x128xf32>
    %mul3A_18 = arith.mulf %sub3A_17, %sub3A_17 : vector<10000x128xf32>
    %reduce_sum3A_19 = arith.constant dense<0.000000e+00> : vector<128xf32>
    %reduce_sum3A_20 = vector.multi_reduction <add>, %mul3A_18, %reduce_sum3A_19 [0] : vector<10000x128xf32> to vector<128xf32>
    %broadcast_in_dim3A_21 = vector.shape_cast %reduce_sum3A_20 : vector<128xf32> to vector<1x128xf32>
    %div3A_22 = arith.constant 1.000000e+04 : f32
    %div3A_23 = vector.broadcast %div3A_22 : f32 to vector<1x128xf32>
    %div3A_24 = arith.divf %broadcast_in_dim3A_21, %div3A_23 : vector<1x128xf32>
    %get3A_25 = arith.constant 0 : index
    %get3A_26 = vector.load %arg4[%get3A_25] : memref<128xf32, #tpu.memory_space<vmem>>, vector<128xf32>
    %broadcast_in_dim3A_27 = vector.shape_cast %get3A_26 : vector<128xf32> to vector<1x128xf32>
    %mul3A_28 = vector.broadcast %broadcast_in_dim3A_27 : vector<1x128xf32> to vector<10000x128xf32>
    %mul3A_29 = arith.mulf %mul3A_28, %sub3A_17 : vector<10000x128xf32>
    %add3A_30 = arith.constant 9.99999974E-6 : f32
    %add3A_31 = vector.broadcast %add3A_30 : f32 to vector<1x128xf32>
    %add3A_32 = arith.addf %div3A_24, %add3A_31 : vector<1x128xf32>
    %sqrt3A = math.sqrt %add3A_32 : vector<1x128xf32>
    %div3A_33 = vector.broadcast %sqrt3A : vector<1x128xf32> to vector<10000x128xf32>
    %div3A_34 = arith.divf %mul3A_29, %div3A_33 : vector<10000x128xf32>
    %get3A_35 = arith.constant 0 : index
    %get3A_36 = vector.load %arg5[%get3A_35] : memref<128xf32, #tpu.memory_space<vmem>>, vector<128xf32>
    %broadcast_in_dim3A_37 = vector.shape_cast %get3A_36 : vector<128xf32> to vector<1x128xf32>
    %add3A_38 = vector.broadcast %broadcast_in_dim3A_37 : vector<1x128xf32> to vector<10000x128xf32>
    %add3A_39 = arith.addf %div3A_34, %add3A_38 : vector<10000x128xf32>
    %ge3A = arith.constant 0.000000e+00 : f32
    %ge3A_40 = vector.broadcast %ge3A : f32 to vector<10000x128xf32>
    %ge3A_41 = arith.cmpf oge, %add3A_39, %ge3A_40 : vector<10000x128xf32>
    %mul3A_42 = arith.constant 0.00999999977 : f32
    %mul3A_43 = vector.broadcast %mul3A_42 : f32 to vector<10000x128xf32>
    %mul3A_44 = arith.mulf %mul3A_43, %add3A_39 : vector<10000x128xf32>
    %select_n3A = arith.select %ge3A_41, %add3A_39, %mul3A_44 : vector<10000x128xi1>, vector<10000x128xf32>
    %get3A_45 = arith.constant 0 : index
    %get3A_46 = arith.constant 0 : index
    %get3A_47 = vector.load %arg6[%get3A_45, %get3A_46] : memref<128x128xf32, #tpu.memory_space<vmem>>, vector<128x128xf32>
    %dot_general3A = arith.constant dense<0.000000e+00> : vector<10000x128xf32>
    %dot_general3A_48 = tpu.matmul %select_n3A, %get3A_47, %dot_general3A {dimension_numbers = #tpu.dot_dimension_numbers<[1], [0], [0], [1], [0, 0, 1, 1], [], []>, transpose_lhs_hint = false} : vector<10000x128xf32>, vector<128x128xf32>, vector<10000x128xf32> -> vector<10000x128xf32>
    %get3A_49 = arith.constant 0 : index
    %get3A_50 = arith.constant 0 : index
    %get3A_51 = vector.load %arg2[%get3A_49, %get3A_50] : memref<10000x1xf32, #tpu.memory_space<vmem>>, vector<10000x1xf32>
    %mul3A_52 = vector.broadcast %get3A_51 : vector<10000x1xf32> to vector<10000x128xf32>
    %mul3A_53 = arith.mulf %dot_general3A_48, %mul3A_52 : vector<10000x128xf32>
    %swap3A = arith.constant 0 : index
    %swap3A_54 = arith.constant 0 : index
    %swap3A_55 = vector.load %arg7[%swap3A, %swap3A_54] : memref<10000x128xf32, #tpu.memory_space<vmem>>, vector<10000x128xf32>
    tpu.vector_store %arg7[%swap3A, %swap3A_54], %mul3A_53 {strides = array<i32>} : memref<10000x128xf32, #tpu.memory_space<vmem>>, vector<10000x128xf32>,
    return
  }
}

module attributes {stable_mosaic.version = 14 : i64} {
  func.func @_tc_mid_body(%arg0: memref<10240x128xf32, #tpu.memory_space<vmem>>, %arg1: memref<10000x128xf32, #tpu.memory_space<vmem>>, %arg2: memref<10000x1xf32, #tpu.memory_space<vmem>>, %arg3: memref<128xf32, #tpu.memory_space<vmem>>, %arg4: memref<128xf32, #tpu.memory_space<vmem>>, %arg5: memref<128xf32, #tpu.memory_space<vmem>>, %arg6: memref<128x1xf32, #tpu.memory_space<vmem>>, %arg7: memref<10240x16xf32, #tpu.memory_space<vmem>>) attributes {dimension_semantics = [], scalar_prefetch = 0 : i64, scratch_operands = 0 : i64, tpu.core_type = #tpu.core_type<tc>} {
    %get3A = arith.constant 0 : index
    %get3A_0 = arith.constant 0 : index
    %get3A_1 = vector.load %arg0[%get3A, %get3A_0] : memref<10240x128xf32, #tpu.memory_space<vmem>>, vector<10000x128xf32>
    %get3A_2 = arith.constant 0 : index
    %get3A_3 = arith.constant 0 : index
    %get3A_4 = vector.load %arg1[%get3A_2, %get3A_3] : memref<10000x128xf32, #tpu.memory_space<vmem>>, vector<10000x128xf32>
    %add3A = arith.addf %get3A_1, %get3A_4 : vector<10000x128xf32>
    %get3A_5 = arith.constant 0 : index
    %get3A_6 = arith.constant 0 : index
    %get3A_7 = vector.load %arg2[%get3A_5, %get3A_6] : memref<10000x1xf32, #tpu.memory_space<vmem>>, vector<10000x1xf32>
    %mul3A = vector.broadcast %get3A_7 : vector<10000x1xf32> to vector<10000x128xf32>
    %mul3A_8 = arith.mulf %add3A, %mul3A : vector<10000x128xf32>
    %get3A_9 = arith.constant 0 : index
    %get3A_10 = vector.load %arg3[%get3A_9] : memref<128xf32, #tpu.memory_space<vmem>>, vector<128xf32>
    %broadcast_in_dim3A = vector.shape_cast %get3A_10 : vector<128xf32> to vector<1x128xf32>
    %add3A_11 = vector.broadcast %broadcast_in_dim3A : vector<1x128xf32> to vector<10000x128xf32>
    %add3A_12 = arith.addf %mul3A_8, %add3A_11 : vector<10000x128xf32>
    %reduce_sum3A = arith.constant dense<0.000000e+00> : vector<128xf32>
    %reduce_sum3A_13 = vector.multi_reduction <add>, %add3A_12, %reduce_sum3A [0] : vector<10000x128xf32> to vector<128xf32>
    %broadcast_in_dim3A_14 = vector.shape_cast %reduce_sum3A_13 : vector<128xf32> to vector<1x128xf32>
    %div3A = arith.constant 1.000000e+04 : f32
    %div3A_15 = vector.broadcast %div3A : f32 to vector<1x128xf32>
    %div3A_16 = arith.divf %broadcast_in_dim3A_14, %div3A_15 : vector<1x128xf32>
    %sub3A = vector.broadcast %div3A_16 : vector<1x128xf32> to vector<10000x128xf32>
    %sub3A_17 = arith.subf %add3A_12, %sub3A : vector<10000x128xf32>
    %mul3A_18 = arith.mulf %sub3A_17, %sub3A_17 : vector<10000x128xf32>
    %reduce_sum3A_19 = arith.constant dense<0.000000e+00> : vector<128xf32>
    %reduce_sum3A_20 = vector.multi_reduction <add>, %mul3A_18, %reduce_sum3A_19 [0] : vector<10000x128xf32> to vector<128xf32>
    %broadcast_in_dim3A_21 = vector.shape_cast %reduce_sum3A_20 : vector<128xf32> to vector<1x128xf32>
    %div3A_22 = arith.constant 1.000000e+04 : f32
    %div3A_23 = vector.broadcast %div3A_22 : f32 to vector<1x128xf32>
    %div3A_24 = arith.divf %broadcast_in_dim3A_21, %div3A_23 : vector<1x128xf32>
    %get3A_25 = arith.constant 0 : index
    %get3A_26 = vector.load %arg4[%get3A_25] : memref<128xf32, #tpu.memory_space<vmem>>, vector<128xf32>
    %broadcast_in_dim3A_27 = vector.shape_cast %get3A_26 : vector<128xf32> to vector<1x128xf32>
    %mul3A_28 = vector.broadcast %broadcast_in_dim3A_27 : vector<1x128xf32> to vector<10000x128xf32>
    %mul3A_29 = arith.mulf %mul3A_28, %sub3A_17 : vector<10000x128xf32>
    %add3A_30 = arith.constant 9.99999974E-6 : f32
    %add3A_31 = vector.broadcast %add3A_30 : f32 to vector<1x128xf32>
    %add3A_32 = arith.addf %div3A_24, %add3A_31 : vector<1x128xf32>
    %sqrt3A = math.sqrt %add3A_32 : vector<1x128xf32>
    %div3A_33 = vector.broadcast %sqrt3A : vector<1x128xf32> to vector<10000x128xf32>
    %div3A_34 = arith.divf %mul3A_29, %div3A_33 : vector<10000x128xf32>
    %get3A_35 = arith.constant 0 : index
    %get3A_36 = vector.load %arg5[%get3A_35] : memref<128xf32, #tpu.memory_space<vmem>>, vector<128xf32>
    %broadcast_in_dim3A_37 = vector.shape_cast %get3A_36 : vector<128xf32> to vector<1x128xf32>
    %add3A_38 = vector.broadcast %broadcast_in_dim3A_37 : vector<1x128xf32> to vector<10000x128xf32>
    %add3A_39 = arith.addf %div3A_34, %add3A_38 : vector<10000x128xf32>
    %ge3A = arith.constant 0.000000e+00 : f32
    %ge3A_40 = vector.broadcast %ge3A : f32 to vector<10000x128xf32>
    %ge3A_41 = arith.cmpf oge, %add3A_39, %ge3A_40 : vector<10000x128xf32>
    %mul3A_42 = arith.constant 0.00999999977 : f32
    %mul3A_43 = vector.broadcast %mul3A_42 : f32 to vector<10000x128xf32>
    %mul3A_44 = arith.mulf %mul3A_43, %add3A_39 : vector<10000x128xf32>
    %select_n3A = arith.select %ge3A_41, %add3A_39, %mul3A_44 : vector<10000x128xi1>, vector<10000x128xf32>
    %get3A_45 = arith.constant 0 : index
    %get3A_46 = arith.constant 0 : index
    %get3A_47 = vector.load %arg6[%get3A_45, %get3A_46] : memref<128x1xf32, #tpu.memory_space<vmem>>, vector<128x1xf32>
    %dot_general3A = arith.constant dense<0.000000e+00> : vector<10000x1xf32>
    %dot_general3A_48 = tpu.matmul %select_n3A, %get3A_47, %dot_general3A {dimension_numbers = #tpu.dot_dimension_numbers<[1], [0], [0], [1], [0, 0, 1, 1], [], []>, transpose_lhs_hint = false} : vector<10000x128xf32>, vector<128x1xf32>, vector<10000x1xf32> -> vector<10000x1xf32>
    %get3A_49 = arith.constant 0 : index
    %get3A_50 = arith.constant 0 : index
    %get3A_51 = vector.load %arg2[%get3A_49, %get3A_50] : memref<10000x1xf32, #tpu.memory_space<vmem>>, vector<10000x1xf32>
    %mul3A_52 = arith.mulf %dot_general3A_48, %get3A_51 : vector<10000x1xf32>
    %iota3A = tpu.iota {dimensions = array<i32: 1>} : vector<1x16xi32>
    %eq3A = arith.constant 0 : i32
    %eq3A_53 = vector.broadcast %eq3A : i32 to vector<1x16xi32>
    %eq3A_54 = arith.cmpi eq, %iota3A, %eq3A_53 : vector<1x16xi32>
    %jit3A = arith.constant 0.000000e+00 : f32
    %broadcast_in_dim3A_55 = vector.shape_cast %eq3A_54 : vector<1x16xi1> to vector<1x16xi1>
    %broadcast_in_dim3A_56 = vector.broadcast %broadcast_in_dim3A_55 : vector<1x16xi1> to vector<10000x16xi1>
    %broadcast_in_dim3A_57 = vector.shape_cast %mul3A_52 : vector<10000x1xf32> to vector<10000x1xf32>
    %broadcast_in_dim3A_58 = vector.broadcast %broadcast_in_dim3A_57 : vector<10000x1xf32> to vector<10000x16xf32>
    %broadcast_in_dim3A_59 = vector.broadcast %jit3A : f32 to vector<10000x16xf32>
    %select_n3A_60 = arith.select %broadcast_in_dim3A_56, %broadcast_in_dim3A_58, %broadcast_in_dim3A_59 : vector<10000x16xi1>, vector<10000x16xf32>
    %swap3A = arith.constant 0 : index
    %swap3A_61 = arith.constant 0 : index
    %swap3A_62 = vector.load %arg7[%swap3A, %swap3A_61] : memref<10240x16xf32, #tpu.memory_space<vmem>>, vector<10000x16xf32>
    tpu.vector_store %arg7[%swap3A, %swap3A_61], %select_n3A_60 {strides = array<i32>} : memref<10240x16xf32, #tpu.memory_space<vmem>>, vector<10000x16xf32>,
    %broadcast_in_dim3A_63 = arith.constant 0.000000e+00 : f32
    %broadcast_in_dim3A_64 = vector.broadcast %broadcast_in_dim3A_63 : f32 to vector<240x16xf32>
    %swap3A_65 = arith.constant 10000 : index
    %swap3A_66 = arith.constant 0 : index
    %swap3A_67 = vector.load %arg7[%swap3A_65, %swap3A_66] : memref<10240x16xf32, #tpu.memory_space<vmem>>, vector<240x16xf32>
    tpu.vector_store %arg7[%swap3A_65, %swap3A_66], %broadcast_in_dim3A_64 {strides = array<i32>} : memref<10240x16xf32, #tpu.memory_space<vmem>>, vector<240x16xf32>,
    return
  }
}

module attributes {stable_mosaic.version = 14 : i64} {
  func.func @_tc3_body(%arg0: memref<2x10240x16xf32, #tpu.memory_space<vmem>>, %arg1: memref<10240x16xf32, #tpu.memory_space<vmem>>, %arg2: memref<10000x1xf32, #tpu.memory_space<vmem>>, %arg3: memref<1xf32, #tpu.memory_space<vmem>>, %arg4: memref<10000x1xf32, #tpu.memory_space<vmem>>) attributes {dimension_semantics = [], scalar_prefetch = 0 : i64, scratch_operands = 0 : i64, tpu.core_type = #tpu.core_type<tc>} {
    %get3A = arith.constant 0 : index
    %get3A_0 = arith.constant 0 : index
    %get3A_1 = arith.constant 0 : index
    %get3A_2 = vector.load %arg0[%get3A, %get3A_0, %get3A_1] : memref<2x10240x16xf32, #tpu.memory_space<vmem>>, vector<2x10240x16xf32>
    %slice3A = vector.extract_strided_slice %get3A_2 {offsets = [0, 0, 0], sizes = [1, 10240, 16], strides = [1, 1, 1]} : vector<2x10240x16xf32> to vector<1x10240x16xf32>
    %squeeze3A = vector.shape_cast %slice3A : vector<1x10240x16xf32> to vector<10240x16xf32>
    %slice3A_3 = vector.extract_strided_slice %squeeze3A {offsets = [0, 0], sizes = [10000, 1], strides = [1, 1]} : vector<10240x16xf32> to vector<10000x1xf32>
    %slice3A_4 = vector.extract_strided_slice %get3A_2 {offsets = [1, 0, 0], sizes = [1, 10240, 16], strides = [1, 1, 1]} : vector<2x10240x16xf32> to vector<1x10240x16xf32>
    %squeeze3A_5 = vector.shape_cast %slice3A_4 : vector<1x10240x16xf32> to vector<10240x16xf32>
    %slice3A_6 = vector.extract_strided_slice %squeeze3A_5 {offsets = [0, 0], sizes = [10000, 1], strides = [1, 1]} : vector<10240x16xf32> to vector<10000x1xf32>
    %add3A = arith.addf %slice3A_3, %slice3A_6 : vector<10000x1xf32>
    %get3A_7 = arith.constant 0 : index
    %get3A_8 = arith.constant 0 : index
    %get3A_9 = vector.load %arg1[%get3A_7, %get3A_8] : memref<10240x16xf32, #tpu.memory_space<vmem>>, vector<10000x1xf32>
    %add3A_10 = arith.addf %add3A, %get3A_9 : vector<10000x1xf32>
    %get3A_11 = arith.constant 0 : index
    %get3A_12 = arith.constant 0 : index
    %get3A_13 = vector.load %arg2[%get3A_11, %get3A_12] : memref<10000x1xf32, #tpu.memory_space<vmem>>, vector<10000x1xf32>
    %mul3A = arith.mulf %add3A_10, %get3A_13 : vector<10000x1xf32>
    %get3A_14 = arith.constant 0 : index
    %get3A_15 = vector.load %arg3[%get3A_14] : memref<1xf32, #tpu.memory_space<vmem>>, vector<1xf32>
    %broadcast_in_dim3A = vector.shape_cast %get3A_15 : vector<1xf32> to vector<1x1xf32>
    %add3A_16 = vector.broadcast %broadcast_in_dim3A : vector<1x1xf32> to vector<10000x1xf32>
    %add3A_17 = arith.addf %mul3A, %add3A_16 : vector<10000x1xf32>
    %swap3A = arith.constant 0 : index
    %swap3A_18 = arith.constant 0 : index
    %swap3A_19 = vector.load %arg4[%swap3A, %swap3A_18] : memref<10000x1xf32, #tpu.memory_space<vmem>>, vector<10000x1xf32>
    tpu.vector_store %arg4[%swap3A, %swap3A_18], %add3A_17 {strides = array<i32>} : memref<10000x1xf32, #tpu.memory_space<vmem>>, vector<10000x1xf32>,
    return
  }
}

</mosaic_0001>

<sc_bundles>
// kernel: kernel.10.cloned.1.call-start
scs
__scs_entry_jumppad:
0x0: {  	(pc) =	sbr.rel $0x88, $3  }
0x1: {  	(tag) =	ssettag $0x0;
	lr =	simm.s32 $0x1  }
0x2: {  	[smem:$0x3F95] =	sst lr;
	_ =	strace $0xD0000000  }
0x3: {  	_ = 	snop  }
0x4: {  	_ = 	snop  }
0x5: {  	_ = 	snop  }
0x6: {  	_ = 	snop  }
0x7: {  	_ = 	snop  }
__scs_overlays_trampoline_lowered:
0x8: {  	[smem:$0x3FA4] =	sst s0  }
0x9: {  	[smem:$0x3FA5] =	sst s1  }
0xa: {  	[smem:$0x3FA6] =	sst s2  }
0xb: {  	[smem:$0x3FA7] =	sst s3  }
0xc: {  	[smem:$0x3FA8] =	sst s4  }
0xd: {  	[smem:$0x3FA9] =	sst s5  }
0xe: {  	[smem:$0x3FAA] =	sst s6  }
0xf: {  	[smem:$0x3FAB] =	sst s7  }
0x10: {  	[smem:$0x3FAC] =	sst s8  }
0x11: {  	[smem:$0x3FAD] =	sst s9;
	s0 =	simm.s32 @!p0 $0x0  }
0x12: {  	s1 =	sld [smem:$0x3F93];
	s0 =	simm.s32 @p0 $0x1  }
0x13: {  	[smem:$0x3FAE] =	sst s0;
	s0 =	simm.s32 @!p1 $0x0  }
0x14: {  	s2 =	sld [smem:$0x3F92];
	s0 =	simm.s32 @p1 $0x1  }
0x15: {  	[smem:$0x3FAF] =	sst s0;
	s0 =	simm.s32 @!p2 $0x0  }
0x16: {  	s3 =	sld [smem:$0x3FDB];
	s0 =	simm.s32 @p2 $0x1  }
0x17: {  	s4 =	simm.s32 $0x1BF5;
	[smem:$0x3FB1] =	sst s0  }
0x18: {  	s0 =	sld [smem:$0x3F94];
	_ =	swait.ge [sflag:s4], $0x0  }
0x19: {  	s7 =	sld [smem:$0x3F95]  }
0x1a: {  	s8 =	sadd.s32 $0xFFFFE003, lr  }
0x1b: {  	s9 =	sadd.s32 $0xFFFFFEF7, lr;
	s5 =	simm.s32 $0xFFFFFFFF;
	p2 =	slt.u32 s8, $0xFFFFF086  }
0x1c: {  	p1 =	slt.u32 s9, $0xF7A;
	s5 =	simm.s32 @!p2 $0x0  }
0x1d: {  	s5 =	simm.s32 @p1 $0x1;
	p0 =	seq.s32 s7, s2  }
0x1e: {  	s7 =	smul.u32 @!p0 $0xF7A, s2;
	p2 =	seq.s32 @!p0 s5, $0x0  }
0x1f: {  	s9 =	smul.u32 $0xF7A, s1;
	s8 =	simm.s32 @!p0 $0x1BF5;
	p2 =	por !p2, p0  }
0x20: {  	[sflag:s8] =	ssyncset.s32 @!p0 $0xFFFFF086;
	s6 =	sadd.s32 @!p0 s3, s7;
	s7 =	simm.s32 @!p0 $0x108  }
0x21: {  	s3 =	sadd.s32 s3, s9;
	s6 =	sadd.s32 @!p0 $0x88, s6;
	s7 =	simm.s32 @p2 $0x1082  }
0x22: {  	[simem:s7], [sflag:s8] =	dma.local @!p0 [hbm:s6], $0xF7A  }
0x23: {  	s9 =	sor.u32 $0xD0000000, s2;
	s6 =	simm.s32 $0x108;
	_ =	swait.ge @!p0 [sflag:s8], $0x0  }
0x24: {  	s3 =	sadd.s32 $0x88, s3;
	s6 =	simm.s32 @!p1 $0x1082;
	[sflag:s4] =	ssyncset.s32 $0xFFFFF086  }
0x25: {  	[simem:s6], [sflag:s4] =	dma.local [hbm:s3], $0xF7A  }
0x26: {  	[smem:$0x3F95] =	sst s1;
	(tag) =	ssettag s2;
	_ =	strace s9  }
0x27: {  	s1 =	sld [smem:$0x3FA5]  }
0x28: {  	s2 =	sld [smem:$0x3FA6]  }
0x29: {  	s4 =	sld [smem:$0x3FA8]  }
0x2a: {  	p0 =	seq.s32 s5, $0x0;
	s5 =	sld [smem:$0x3FA9]  }
0x2b: {  	s6 =	sld [smem:$0x3FAA]  }
0x2c: {  	s7 =	sld [smem:$0x3FAB]  }
0x2d: {  	s3 =	simm.s32 $0x108;
	s8 =	sld [smem:$0x3FAC]  }
0x2e: {  	s3 =	simm.s32 @!p0 $0x1082;
	s9 =	sld [smem:$0x3FAD]  }
0x2f: {  	lr =	sadd.s32 s0, s3;
	s0 =	sld [smem:$0x3FA4]  }
0x30: {  	s3 =	sld [smem:$0x3FA7]  }
0x31: {  	[smem:$0x3FB0] =	sst s10  }
0x32: {  	s10 =	sld [smem:$0x3FAE];
	_ =	sdelay $0x3  }
0x33: {  	p0 =	seq.s32 s10, $0x1;
	s10 =	sld [smem:$0x3FB0];
	_ =	sdelay $0x3  }
0x34: {  	[smem:$0x3FB0] =	sst s10  }
0x35: {  	s10 =	sld [smem:$0x3FAF];
	_ =	sdelay $0x3  }
0x36: {  	p1 =	seq.s32 s10, $0x1;
	s10 =	sld [smem:$0x3FB0];
	_ =	sdelay $0x3  }
0x37: {  	[smem:$0x3FB0] =	sst s10  }
0x38: {  	s10 =	sld [smem:$0x3FB1]  }
0x39: {  	_ = 	snop;
	(pc) =	sbr.ind lr, $3  }
0x3a: {  	_ = 	snop  }
0x3b: {  	_ = 	snop  }
0x3c: {  	p2 =	seq.s32 s10, $0x1;
	s10 =	sld [smem:$0x3FB0]  }
0x3d: {  	_ =	shalt  }
0x3e: {  	_ =	shalt  }
0x3f: {  	_ =	shalt  }
0x40: {  	_ =	shalt  }
0x41: {  	_ =	shalt  }
0x42: {  	_ =	shalt  }
0x43: {  	_ =	shalt  }
0x44: {  	_ =	shalt  }
0x45: {  	_ =	shalt  }
0x46: {  	_ =	shalt  }
0x47: {  	_ =	shalt  }
0x48: {  	_ =	shalt  }
0x49: {  	_ =	shalt  }
0x4a: {  	_ =	shalt  }
0x4b: {  	_ =	shalt  }
0x4c: {  	_ =	shalt  }
0x4d: {  	_ =	shalt  }
0x4e: {  	_ =	shalt  }
0x4f: {  	_ =	shalt  }
0x50: {  	_ =	shalt  }
0x51: {  	_ =	shalt  }
0x52: {  	_ =	shalt  }
0x53: {  	_ =	shalt  }
0x54: {  	_ =	shalt  }
0x55: {  	_ =	shalt  }
0x56: {  	_ =	shalt  }
0x57: {  	_ =	shalt  }
0x58: {  	_ =	shalt  }
0x59: {  	_ =	shalt  }
0x5a: {  	_ =	shalt  }
0x5b: {  	_ =	shalt  }
0x5c: {  	_ =	shalt  }
0x5d: {  	_ =	shalt  }
0x5e: {  	_ =	shalt  }
0x5f: {  	_ =	shalt  }
0x60: {  	_ =	shalt  }
0x61: {  	_ =	shalt  }
0x62: {  	_ =	shalt  }
0x63: {  	_ =	shalt  }
0x64: {  	_ =	shalt  }
0x65: {  	_ =	shalt  }
0x66: {  	_ =	shalt  }
0x67: {  	_ =	shalt  }
0x68: {  	_ =	shalt  }
0x69: {  	_ =	shalt  }
0x6a: {  	_ =	shalt  }
0x6b: {  	_ =	shalt  }
0x6c: {  	_ =	shalt  }
0x6d: {  	_ =	shalt  }
0x6e: {  	_ =	shalt  }
0x6f: {  	_ =	shalt  }
0x70: {  	_ =	shalt  }
0x71: {  	_ =	shalt  }
0x72: {  	_ =	shalt  }
0x73: {  	_ =	shalt  }
0x74: {  	_ =	shalt  }
0x75: {  	_ =	shalt  }
0x76: {  	_ =	shalt  }
0x77: {  	_ =	shalt  }
0x78: {  	_ =	shalt  }
0x79: {  	_ =	shalt  }
0x7a: {  	_ =	shalt  }
0x7b: {  	_ =	shalt  }
0x7c: {  	_ =	shalt  }
0x7d: {  	_ =	shalt  }
0x7e: {  	_ =	shalt  }
0x7f: {  	_ =	shalt  }
0x80: {  	_ =	shalt  }
0x81: {  	_ =	shalt  }
0x82: {  	_ =	shalt  }
0x83: {  	_ =	shalt  }
0x84: {  	_ =	shalt  }
0x85: {  	_ =	shalt  }
0x86: {  	_ =	shalt  }
0x87: {  	_ =	shalt  }
.Lfunc_end0:
.L_simem_size_0:
called_computation_lowered:
.L_overlay_start_0:
0x88: {  	s2 =	sld [smem:$0x3FD9]  }
0x89: {  	s3 =	sld [smem:$0x3FFE];
	_ =	sdelay $0x1  }
0x8a: {  	s1 =	srdreg.scid  }
0x8b: {  	s0 =	sand.u32 $0x1, s1  }
0x8c: {  	s16 =	sshll.u32 s0, $0xA;
	s2 =	sadd.s32 s3, s2  }
0x8d: {  	s2 =	sadd.s32 s2, s16  }
0x8e: {  	[smem:$0x3FBC] =	sst s2  }
0x8f: {  	_ = 	snop  }
0x90: {  	(tm) =	ssettm $0x1  }
0x91: {  	s17 =	sld [smem:$0x3FFB];
	_ =	sdelay $0x3  }
0x92: {  	_ =	strace s17  }
0x93: {  	s2 =	sld [smem:$0x3FFC];
	_ =	sdelay $0x3  }
0x94: {  	_ =	strace s2  }
0x95: {  	s2 =	sld [smem:$0x3FFD];
	_ =	sdelay $0x3  }
0x96: {  	_ =	strace s2  }
0x97: {  	_ =	strace $0x8FFFFFFF  }
0x98: {  	s18 =	sld [smem:$0x3FDB];
	_ =	sdelay $0x1  }
0x99: {  	s19 =	simm.s32 $_scs_section_size  }
0x9a: {  	s4 =	simm.s32 $_size__tile_overlayer_lowered;
	s5 =	simm.s32 $_tile_overlayer_lowered  }
0x9b: {  	s22 =	simm.s32 $0x1BFF;
	s21 =	sshll.u32 s5, $0x1;
	s2 =	sadd.s32 s19, s18  }
0x9c: {  	s6 =	simm.s32 $0x0;
	s20 =	sshll.u32 s4, $0x1;
	s4 =	sadd.s32 s21, s2  }
0x9d: {  	[timem:s6], [sflag:s22] =	dma.local [hbm:s4], s20  }
0x9e: {  	_ =	swait.ge [sflag:s22], s20  }
0x9f: {  	s3 =	ssub.s32 $0x0, s20;
	[sflag:s22] =	ssyncset.done $0x0  }
0xa0: {  	[sflag:s22] =	ssyncadd.s32 s3;
	_ =	sdelay $0x1  }
0xa1: {  	s23 =	simm.s32 $0x1B8B  }
0xa2: {  	_ =	swait.ge [sflag:s23], $0x1  }
0xa3: {  	[sflag:s23] =	ssyncset.done $0x0  }
0xa4: {  	s25 =	simm.s32 $0x1B8E;
	s24 =	sld [smem:$0x3FFE];
	[sflag:s23] =	ssyncadd.s32 $0xFFFFFFFF  }
0xa5: {  	s26 =	simm.s32 $execute0_lowered;
	[smem:$0x3FD2] =	sst s25  }
0xa6: {  	s4 =	sshll.u32 s26, $0x1;
	_ =	strace $0x80000046;
	[dreg:$0x1] =	wrdreg $0xFFFFFFFF  }
0xa7: {  	s28 =	simm.s32 $_size_execute0_lowered;
	s2 =	sadd.s32 s2, s4;
	[dreg:$0x0] =	wrdreg $0x0  }
0xa8: {  	s4 =	sshll.u32 s28, $0x1;
	[dreg:$0x2] =	wrdreg s2  }
0xa9: {  	[dreg:$0x3] =	wrdreg s4  }
0xaa: {  	[dreg:$0x4] =	wrdreg $0xC0  }
0xab: {  	_ =	task [dreg:s6], $0x5FFFF  }
0xac: {  	[dreg:$0x1] =	wrdreg $0xFFFFFFFF  }
0xad: {  	[dreg:$0x0] =	wrdreg $0x60  }
0xae: {  	[dreg:$0x2] =	wrdreg s24  }
0xaf: {  	[dreg:$0x3] =	wrdreg $0x90000  }
0xb0: {  	[dreg:$0x4] =	wrdreg $0x9  }
0xb1: {  	_ =	task.clear_ibuf [dreg:s6], $0x5FFFF;
	_ =	strace $0x90000046  }
0xb2: {  	s29 =	simm.s32 $0x9;
	_ =	strace $0x80000048  }
0xb3: {  	_ =	swait.ge [sflag:s29], $0x1  }
0xb4: {  	[sflag:s29] =	ssyncadd.s32 $0xFFFFFFFF  }
0xb5: {  	_ =	strace $0x90000048  }
0xb6: {  	_ =	sfence  }
0xb7: {  	s30 =	sld [smem:$0x0];
	_ =	sdelay $0x2  }
0xb8: {  	s31 =	sshll.u32 s1, $0xD;
	s1 =	sshrl.u32 s1, $0x2  }
0xb9: {  	s3 =	sand.u32 $0x4000, s31;
	s1 =	sadd.s32 s1, s30  }
0xba: {  	s0 =	sor.u32 s3, s0;
	s1 =	sshll.u32 s1, $0x11  }
0xbb: {  	s0 =	sor.u32 s1, s0  }
0xbc: {  	s0 =	sadd.s32 $0x8F2B, s0  }
0xbd: {  	[sflag:s0] =	ssyncadd.remote.s32 $0x1  }
0xbe: {  	_ =	sfence.sel $0xFFFF  }
0xbf: {  	[dreg:$0x0] =	wrdreg $0xFFFFFFFF;
	(pc) =	sbr.abs _section_cstart, $3  }
0xc0: {  	[dreg:$0x1] =	wrdreg $0xFFFFFFFF  }
0xc1: {  	_ =	task.clear_ibuf [dreg:s6], $0x2FFFF;
	_ =	strace $0x9FFFFFFF  }
0xc2: {  	(tm) =	ssettm $0x7FFFFFFF  }
0xc3: {  	_ =	shalt  }
tec
execute0_lowered:
.L_overlay_start_1:
0x0: {  	(tag) =	ssettag $0x1  }
0x1: {  	s0 =	stileid.u32  }
0x2: {  	s4 =	smul.u32 $0x2800, s0  }
0x3: {  	s9 =	rddreg [dreg:$0x0]  }
0x4: {  	s2 =	rddreg [dreg:$0x1];
	s24 =	srdreg.scid;
	s1 =	sshrl.u32 s4, $0x3  }
0x5: {  	s3 =	simm.s32 $0x0;
	s5 =	sadd.s32 s1, s9;
	s1 =	sand.u32 $0x1, s24  }
0x6: {  	[smem:$0x7FF] =	sst s3;
	s5 =	sadd.s32 $0x17C00, s5;
	s6 =	smul.u32 $0x28000, s1  }
0x7: {  	s25 =	sshll.u32 s0, $0x6;
	_ =	strace $0x80000047;
	[dreg:$0x3] =	wrdreg s5  }
0x8: {  	s5 =	sor.u32 $0x1C02, s25;
	s8 =	sadd.s32 s4, s6;
	s4 =	sadd.s32 s4, s2  }
0x9: {  	s7 =	rddreg [dreg:$0x3];
	s6 =	sshrl.u32 s4, $0x3;
	s4 =	simm.s32 $0x2  }
0xa: {  	[spmem:s6], [sflag:s5] =	dma.local [hbm:s7], $0x500  }
0xb: {  	s26 =	sshrl.u32 s8, $0x3;
	_ =	swait.ge [sflag:s4], $0x500  }
0xc: {  	s31 =	sadd.s32 s26, s9;
	[sflag:s4] =	ssyncset.done $0x0  }
0xd: {  	s7 =	sadd.s32 $0xDC00, s31;
	[sflag:s4] =	ssyncadd.s32 $0xFFFFFB00  }
0xe: {  	[tilespmem:s3], [sflag:$0x2] =	stream.linear.gather [hbm4b:s7+s3], $0x2800, $0x38;
	[tilespmem:$0xB800] =	vst v63  }
0xf: {  	_ =	swait.ge [sflag:s4], $0x2800  }
0x10: {  	[sflag:s4] =	ssyncset.done $0x0  }
0x11: {  	s8 =	simm.s32 $0x2800;
	[sflag:s4] =	ssyncadd.s32 $0xFFFFD800  }
0x12: {  	[tilespmem:s8], [sflag:$0x2] =	stream.linear.gather [hbm4b:s7+s3], $0x2800, $0x38;
	[tilespmem:$0xB800] =	vst v63  }
0x13: {  	_ =	swait.ge [sflag:s4], $0x2800  }
0x14: {  	[sflag:s4] =	ssyncset.done $0x0  }
0x15: {  	s10 =	simm.s32 $0x400;
	s11 =	simm.s32 $0x5000;
	[sflag:s4] =	ssyncadd.s32 $0xFFFFD800  }
0x16: {  	s12 =	simm.s32 $0x1;
	s9 =	sadd.s32 $0x1CC00, s9;
	[bflag:$0x0] =	sbarrier.arrive $0xFFFF  }
0x17: {  	[tilespmem:s11], [sflag:$0x1] =	stream.indirect.gather [hbm4b:s9+s10], $0x10, s3, s10, $0xb8;
	[tilespmem:$0xB800] =	vst v63  }
0x18: {  	_ =	swait.ge [sflag:s12], $0x4000  }
0x19: {  	[sflag:s12] =	ssyncset.done $0x0  }
0x1a: {  	[sflag:s12] =	ssyncadd.s32 $0xFFFFC000  }
0x1b: {  	[spmem:s2] =	stream.indirect.scatter.add.f32 [tilespmem:s11], [sflag:$0x2], $0x10, s8, s10, $0xb8;
	[tilespmem:$0xB800] =	vst v63  }
0x1c: {  	_ =	swait.ge [sflag:s4], $0x4000  }
0x1d: {  	[sflag:s4] =	ssyncset.done $0x0  }
0x1e: {  	[sflag:s4] =	ssyncadd.s32 $0xFFFFC000  }
0x1f: {  	[tilespmem:s11], [sflag:$0x1] =	stream.indirect.gather [hbm4b:s9+s10], $0x10, s10, s10, $0xb8;
	[tilespmem:$0xB800] =	vst v63  }
0x20: {  	_ =	swait.ge [sflag:s12], $0x4000  }
0x21: {  	[sflag:s12] =	ssyncset.done $0x0  }
0x22: {  	s13 =	simm.s32 $0x2C00;
	[sflag:s12] =	ssyncadd.s32 $0xFFFFC000  }
0x23: {  	[spmem:s2] =	stream.indirect.scatter.add.f32 [tilespmem:s11], [sflag:$0x2], $0x10, s13, s10, $0xb8;
	[tilespmem:$0xB800] =	vst v63  }
0x24: {  	_ =	swait.ge [sflag:s4], $0x4000  }
0x25: {  	[sflag:s4] =	ssyncset.done $0x0  }
0x26: {  	s14 =	simm.s32 $0x800;
	[sflag:s4] =	ssyncadd.s32 $0xFFFFC000  }
0x27: {  	[tilespmem:s11], [sflag:$0x1] =	stream.indirect.gather [hbm4b:s9+s10], $0x10, s14, s10, $0xb8;
	[tilespmem:$0xB800] =	vst v63  }
0x28: {  	_ =	swait.ge [sflag:s12], $0x4000  }
0x29: {  	[sflag:s12] =	ssyncset.done $0x0  }
0x2a: {  	s15 =	simm.s32 $0x3000;
	[sflag:s12] =	ssyncadd.s32 $0xFFFFC000  }
0x2b: {  	[spmem:s2] =	stream.indirect.scatter.add.f32 [tilespmem:s11], [sflag:$0x2], $0x10, s15, s10, $0xb8;
	[tilespmem:$0xB800] =	vst v63  }
0x2c: {  	_ =	swait.ge [sflag:s4], $0x4000  }
0x2d: {  	[sflag:s4] =	ssyncset.done $0x0  }
0x2e: {  	s16 =	simm.s32 $0xC00;
	[sflag:s4] =	ssyncadd.s32 $0xFFFFC000  }
0x2f: {  	[tilespmem:s11], [sflag:$0x1] =	stream.indirect.gather [hbm4b:s9+s10], $0x10, s16, s10, $0xb8;
	[tilespmem:$0xB800] =	vst v63  }
0x30: {  	_ =	swait.ge [sflag:s12], $0x4000  }
0x31: {  	[sflag:s12] =	ssyncset.done $0x0  }
0x32: {  	s17 =	simm.s32 $0x3400;
	[sflag:s12] =	ssyncadd.s32 $0xFFFFC000  }
0x33: {  	[spmem:s2] =	stream.indirect.scatter.add.f32 [tilespmem:s11], [sflag:$0x2], $0x10, s17, s10, $0xb8;
	[tilespmem:$0xB800] =	vst v63  }
0x34: {  	_ =	swait.ge [sflag:s4], $0x4000  }
0x35: {  	[sflag:s4] =	ssyncset.done $0x0  }
0x36: {  	s18 =	simm.s32 $0x1000;
	[sflag:s4] =	ssyncadd.s32 $0xFFFFC000  }
0x37: {  	[tilespmem:s11], [sflag:$0x1] =	stream.indirect.gather [hbm4b:s9+s10], $0x10, s18, s10, $0xb8;
	[tilespmem:$0xB800] =	vst v63  }
0x38: {  	_ =	swait.ge [sflag:s12], $0x4000  }
0x39: {  	[sflag:s12] =	ssyncset.done $0x0  }
0x3a: {  	s19 =	simm.s32 $0x3800;
	[sflag:s12] =	ssyncadd.s32 $0xFFFFC000  }
0x3b: {  	[spmem:s2] =	stream.indirect.scatter.add.f32 [tilespmem:s11], [sflag:$0x2], $0x10, s19, s10, $0xb8;
	[tilespmem:$0xB800] =	vst v63  }
0x3c: {  	_ =	swait.ge [sflag:s4], $0x4000  }
0x3d: {  	[sflag:s4] =	ssyncset.done $0x0  }
0x3e: {  	s20 =	simm.s32 $0x1400;
	[sflag:s4] =	ssyncadd.s32 $0xFFFFC000  }
0x3f: {  	[tilespmem:s11], [sflag:$0x1] =	stream.indirect.gather [hbm4b:s9+s10], $0x10, s20, s10, $0xb8;
	[tilespmem:$0xB800] =	vst v63  }
0x40: {  	_ =	swait.ge [sflag:s12], $0x4000  }
0x41: {  	[sflag:s12] =	ssyncset.done $0x0  }
0x42: {  	s21 =	simm.s32 $0x3C00;
	[sflag:s12] =	ssyncadd.s32 $0xFFFFC000  }
0x43: {  	[spmem:s2] =	stream.indirect.scatter.add.f32 [tilespmem:s11], [sflag:$0x2], $0x10, s21, s10, $0xb8;
	[tilespmem:$0xB800] =	vst v63  }
0x44: {  	_ =	swait.ge [sflag:s4], $0x4000  }
0x45: {  	[sflag:s4] =	ssyncset.done $0x0  }
0x46: {  	s22 =	simm.s32 $0x1800;
	[sflag:s4] =	ssyncadd.s32 $0xFFFFC000  }
0x47: {  	[tilespmem:s11], [sflag:$0x1] =	stream.indirect.gather [hbm4b:s9+s10], $0x10, s22, s10, $0xb8;
	[tilespmem:$0xB800] =	vst v63  }
0x48: {  	_ =	swait.ge [sflag:s12], $0x4000  }
0x49: {  	[sflag:s12] =	ssyncset.done $0x0  }
0x4a: {  	s23 =	simm.s32 $0x4000;
	[sflag:s12] =	ssyncadd.s32 $0xFFFFC000  }
0x4b: {  	[spmem:s2] =	stream.indirect.scatter.add.f32 [tilespmem:s11], [sflag:$0x2], $0x10, s23, s10, $0xb8;
	[tilespmem:$0xB800] =	vst v63  }
0x4c: {  	_ =	swait.ge [sflag:s4], $0x4000  }
0x4d: {  	[sflag:s4] =	ssyncset.done $0x0  }
0x4e: {  	s24 =	simm.s32 $0x1C00;
	[sflag:s4] =	ssyncadd.s32 $0xFFFFC000  }
0x4f: {  	[tilespmem:s11], [sflag:$0x1] =	stream.indirect.gather [hbm4b:s9+s10], $0x10, s24, s10, $0xb8;
	[tilespmem:$0xB800] =	vst v63  }
0x50: {  	_ =	swait.ge [sflag:s12], $0x4000  }
0x51: {  	[sflag:s12] =	ssyncset.done $0x0  }
0x52: {  	s25 =	simm.s32 $0x4400;
	[sflag:s12] =	ssyncadd.s32 $0xFFFFC000  }
0x53: {  	[spmem:s2] =	stream.indirect.scatter.add.f32 [tilespmem:s11], [sflag:$0x2], $0x10, s25, s10, $0xb8;
	[tilespmem:$0xB800] =	vst v63  }
0x54: {  	_ =	swait.ge [sflag:s4], $0x4000  }
0x55: {  	[sflag:s4] =	ssyncset.done $0x0  }
0x56: {  	s26 =	simm.s32 $0x2000;
	[sflag:s4] =	ssyncadd.s32 $0xFFFFC000  }
0x57: {  	[tilespmem:s11], [sflag:$0x1] =	stream.indirect.gather [hbm4b:s9+s10], $0x10, s26, s10, $0xb8;
	[tilespmem:$0xB800] =	vst v63  }
0x58: {  	_ =	swait.ge [sflag:s12], $0x4000  }
0x59: {  	[sflag:s12] =	ssyncset.done $0x0  }
0x5a: {  	s28 =	simm.s32 $0x4800;
	[sflag:s12] =	ssyncadd.s32 $0xFFFFC000  }
0x5b: {  	[spmem:s2] =	stream.indirect.scatter.add.f32 [tilespmem:s11], [sflag:$0x2], $0x10, s28, s10, $0xb8;
	[tilespmem:$0xB800] =	vst v63  }
0x5c: {  	_ =	swait.ge [sflag:s4], $0x4000  }
0x5d: {  	[sflag:s4] =	ssyncset.done $0x0  }
0x5e: {  	s29 =	simm.s32 $0x2400;
	s1 =	ssub.s32 $0x2, s1;
	[sflag:s4] =	ssyncadd.s32 $0xFFFFC000  }
0x5f: {  	[tilespmem:s11], [sflag:$0x1] =	stream.indirect.gather [hbm4b:s9+s10], $0x10, s29, s10, $0xb8;
	[tilespmem:$0xB800] =	vst v63  }
0x60: {  	s0 =	sshrl.u32 s1, $0x1;
	_ =	swait.ge [sflag:s12], $0x4000  }
0x61: {  	s0 =	ssub.s32 s1, s0;
	[sflag:s12] =	ssyncset.done $0x0  }
0x62: {  	s30 =	simm.s32 $0x4C00;
	s0 =	smax.u32 s0, $0x1;
	[sflag:s12] =	ssyncadd.s32 $0xFFFFC000  }
0x63: {  	[spmem:s2] =	stream.indirect.scatter.add.f32 [tilespmem:s11], [sflag:$0x2], $0x10, s30, s10, $0xb8;
	[tilespmem:$0xB800] =	vst v63  }
0x64: {  	p0 =	sne.s32 s0, $0x1;
	_ =	swait.ge [sflag:s4], $0x4000  }
.Ltmp0:
0x65: {  	[sflag:s4] =	ssyncset.done $0x0;
	(pc) =	sbr.rel @!p0 .LBB2_2-.Ltmp0, $4  }
0x66: {  	[sflag:s4] =	ssyncadd.s32 $0xFFFFC000  }
0x67: {  	s31 =	sadd.s32 $0x21C00, s31;
	[bflag:$0x0] =	sbarrier.arrive $0xFFFF  }
0x68: {  	[hbm:s31], [sflag:s5] =	dma.local [spmem:s6], $0x500  }
0x69: {  	s1 =	sadd.s32 $0xFFFFFFFF, s0;
	_ =	swait.ge [sflag:s4], $0x500  }
.LBB2_1:
0x6a: {  	[sflag:s4] =	ssyncset.done $0x0  }
0x6b: {  	s0 =	rddreg [dreg:$0x3];
	[sflag:s4] =	ssyncadd.s32 $0xFFFFFB00  }
0x6c: {  	[spmem:s6], [sflag:s5] =	dma.local [hbm:s0], $0x500  }
0x6d: {  	_ =	swait.ge [sflag:s4], $0x500  }
0x6e: {  	[sflag:s4] =	ssyncset.done $0x0  }
0x6f: {  	[sflag:s4] =	ssyncadd.s32 $0xFFFFFB00  }
0x70: {  	[tilespmem:s3], [sflag:$0x2] =	stream.linear.gather [hbm4b:s7+s3], $0x2800, $0x38;
	[tilespmem:$0xB800] =	vst v63  }
0x71: {  	_ =	swait.ge [sflag:s4], $0x2800  }
0x72: {  	[sflag:s4] =	ssyncset.done $0x0  }
0x73: {  	[sflag:s4] =	ssyncadd.s32 $0xFFFFD800  }
0x74: {  	[tilespmem:s8], [sflag:$0x2] =	stream.linear.gather [hbm4b:s7+s3], $0x2800, $0x38;
	[tilespmem:$0xB800] =	vst v63  }
0x75: {  	_ =	swait.ge [sflag:s4], $0x2800  }
0x76: {  	[sflag:s4] =	ssyncset.done $0x0  }
0x77: {  	[sflag:s4] =	ssyncadd.s32 $0xFFFFD800  }
0x78: {  	[bflag:$0x0] =	sbarrier.arrive $0xFFFF  }
0x79: {  	[tilespmem:s11], [sflag:$0x1] =	stream.indirect.gather [hbm4b:s9+s10], $0x10, s3, s10, $0xb8;
	[tilespmem:$0xB800] =	vst v63  }
0x7a: {  	_ =	swait.ge [sflag:s12], $0x4000  }
0x7b: {  	[sflag:s12] =	ssyncset.done $0x0  }
0x7c: {  	[sflag:s12] =	ssyncadd.s32 $0xFFFFC000  }
0x7d: {  	[spmem:s2] =	stream.indirect.scatter.add.f32 [tilespmem:s11], [sflag:$0x2], $0x10, s8, s10, $0xb8;
	[tilespmem:$0xB800] =	vst v63  }
0x7e: {  	_ =	swait.ge [sflag:s4], $0x4000  }
0x7f: {  	[sflag:s4] =	ssyncset.done $0x0  }
0x80: {  	[sflag:s4] =	ssyncadd.s32 $0xFFFFC000  }
0x81: {  	[tilespmem:s11], [sflag:$0x1] =	stream.indirect.gather [hbm4b:s9+s10], $0x10, s10, s10, $0xb8;
	[tilespmem:$0xB800] =	vst v63  }
0x82: {  	_ =	swait.ge [sflag:s12], $0x4000  }
0x83: {  	[sflag:s12] =	ssyncset.done $0x0  }
0x84: {  	[sflag:s12] =	ssyncadd.s32 $0xFFFFC000  }
0x85: {  	[spmem:s2] =	stream.indirect.scatter.add.f32 [tilespmem:s11], [sflag:$0x2], $0x10, s13, s10, $0xb8;
	[tilespmem:$0xB800] =	vst v63  }
0x86: {  	_ =	swait.ge [sflag:s4], $0x4000  }
0x87: {  	[sflag:s4] =	ssyncset.done $0x0  }
0x88: {  	[sflag:s4] =	ssyncadd.s32 $0xFFFFC000  }
0x89: {  	[tilespmem:s11], [sflag:$0x1] =	stream.indirect.gather [hbm4b:s9+s10], $0x10, s14, s10, $0xb8;
	[tilespmem:$0xB800] =	vst v63  }
0x8a: {  	_ =	swait.ge [sflag:s12], $0x4000  }
0x8b: {  	[sflag:s12] =	ssyncset.done $0x0  }
0x8c: {  	[sflag:s12] =	ssyncadd.s32 $0xFFFFC000  }
0x8d: {  	[spmem:s2] =	stream.indirect.scatter.add.f32 [tilespmem:s11], [sflag:$0x2], $0x10, s15, s10, $0xb8;
	[tilespmem:$0xB800] =	vst v63  }
0x8e: {  	_ =	swait.ge [sflag:s4], $0x4000  }
0x8f: {  	[sflag:s4] =	ssyncset.done $0x0  }
0x90: {  	[sflag:s4] =	ssyncadd.s32 $0xFFFFC000  }
0x91: {  	[tilespmem:s11], [sflag:$0x1] =	stream.indirect.gather [hbm4b:s9+s10], $0x10, s16, s10, $0xb8;
	[tilespmem:$0xB800] =	vst v63  }
0x92: {  	_ =	swait.ge [sflag:s12], $0x4000  }
0x93: {  	[sflag:s12] =	ssyncset.done $0x0  }
0x94: {  	[sflag:s12] =	ssyncadd.s32 $0xFFFFC000  }
0x95: {  	[spmem:s2] =	stream.indirect.scatter.add.f32 [tilespmem:s11], [sflag:$0x2], $0x10, s17, s10, $0xb8;
	[tilespmem:$0xB800] =	vst v63  }
0x96: {  	_ =	swait.ge [sflag:s4], $0x4000  }
0x97: {  	[sflag:s4] =	ssyncset.done $0x0  }
0x98: {  	[sflag:s4] =	ssyncadd.s32 $0xFFFFC000  }
0x99: {  	[tilespmem:s11], [sflag:$0x1] =	stream.indirect.gather [hbm4b:s9+s10], $0x10, s18, s10, $0xb8;
	[tilespmem:$0xB800] =	vst v63  }
0x9a: {  	_ =	swait.ge [sflag:s12], $0x4000  }
0x9b: {  	[sflag:s12] =	ssyncset.done $0x0  }
0x9c: {  	[sflag:s12] =	ssyncadd.s32 $0xFFFFC000  }
0x9d: {  	[spmem:s2] =	stream.indirect.scatter.add.f32 [tilespmem:s11], [sflag:$0x2], $0x10, s19, s10, $0xb8;
	[tilespmem:$0xB800] =	vst v63  }
0x9e: {  	_ =	swait.ge [sflag:s4], $0x4000  }
0x9f: {  	[sflag:s4] =	ssyncset.done $0x0  }
0xa0: {  	[sflag:s4] =	ssyncadd.s32 $0xFFFFC000  }
0xa1: {  	[tilespmem:s11], [sflag:$0x1] =	stream.indirect.gather [hbm4b:s9+s10], $0x10, s20, s10, $0xb8;
	[tilespmem:$0xB800] =	vst v63  }
0xa2: {  	_ =	swait.ge [sflag:s12], $0x4000  }
0xa3: {  	[sflag:s12] =	ssyncset.done $0x0  }
0xa4: {  	[sflag:s12] =	ssyncadd.s32 $0xFFFFC000  }
0xa5: {  	[spmem:s2] =	stream.indirect.scatter.add.f32 [tilespmem:s11], [sflag:$0x2], $0x10, s21, s10, $0xb8;
	[tilespmem:$0xB800] =	vst v63  }
0xa6: {  	_ =	swait.ge [sflag:s4], $0x4000  }
0xa7: {  	[sflag:s4] =	ssyncset.done $0x0  }
0xa8: {  	[sflag:s4] =	ssyncadd.s32 $0xFFFFC000  }
0xa9: {  	[tilespmem:s11], [sflag:$0x1] =	stream.indirect.gather [hbm4b:s9+s10], $0x10, s22, s10, $0xb8;
	[tilespmem:$0xB800] =	vst v63  }
0xaa: {  	_ =	swait.ge [sflag:s12], $0x4000  }
0xab: {  	[sflag:s12] =	ssyncset.done $0x0  }
0xac: {  	[sflag:s12] =	ssyncadd.s32 $0xFFFFC000  }
0xad: {  	[spmem:s2] =	stream.indirect.scatter.add.f32 [tilespmem:s11], [sflag:$0x2], $0x10, s23, s10, $0xb8;
	[tilespmem:$0xB800] =	vst v63  }
0xae: {  	_ =	swait.ge [sflag:s4], $0x4000  }
0xaf: {  	[sflag:s4] =	ssyncset.done $0x0  }
0xb0: {  	[sflag:s4] =	ssyncadd.s32 $0xFFFFC000  }
0xb1: {  	[tilespmem:s11], [sflag:$0x1] =	stream.indirect.gather [hbm4b:s9+s10], $0x10, s24, s10, $0xb8;
	[tilespmem:$0xB800] =	vst v63  }
0xb2: {  	_ =	swait.ge [sflag:s12], $0x4000  }
0xb3: {  	[sflag:s12] =	ssyncset.done $0x0  }
0xb4: {  	[sflag:s12] =	ssyncadd.s32 $0xFFFFC000  }
0xb5: {  	[spmem:s2] =	stream.indirect.scatter.add.f32 [tilespmem:s11], [sflag:$0x2], $0x10, s25, s10, $0xb8;
	[tilespmem:$0xB800] =	vst v63  }
0xb6: {  	_ =	swait.ge [sflag:s4], $0x4000  }
0xb7: {  	[sflag:s4] =	ssyncset.done $0x0  }
0xb8: {  	[sflag:s4] =	ssyncadd.s32 $0xFFFFC000  }
0xb9: {  	[tilespmem:s11], [sflag:$0x1] =	stream.indirect.gather [hbm4b:s9+s10], $0x10, s26, s10, $0xb8;
	[tilespmem:$0xB800] =	vst v63  }
0xba: {  	_ =	swait.ge [sflag:s12], $0x4000  }
0xbb: {  	[sflag:s12] =	ssyncset.done $0x0  }
0xbc: {  	[sflag:s12] =	ssyncadd.s32 $0xFFFFC000  }
0xbd: {  	[spmem:s2] =	stream.indirect.scatter.add.f32 [tilespmem:s11], [sflag:$0x2], $0x10, s28, s10, $0xb8;
	[tilespmem:$0xB800] =	vst v63  }
0xbe: {  	_ =	swait.ge [sflag:s4], $0x4000  }
0xbf: {  	[sflag:s4] =	ssyncset.done $0x0  }
0xc0: {  	[sflag:s4] =	ssyncadd.s32 $0xFFFFC000  }
0xc1: {  	[tilespmem:s11], [sflag:$0x1] =	stream.indirect.gather [hbm4b:s9+s10], $0x10, s29, s10, $0xb8;
	[tilespmem:$0xB800] =	vst v63  }
0xc2: {  	_ =	swait.ge [sflag:s12], $0x4000  }
0xc3: {  	[sflag:s12] =	ssyncset.done $0x0  }
0xc4: {  	[sflag:s12] =	ssyncadd.s32 $0xFFFFC000  }
0xc5: {  	[spmem:s2] =	stream.indirect.scatter.add.f32 [tilespmem:s11], [sflag:$0x2], $0x10, s30, s10, $0xb8;
	[tilespmem:$0xB800] =	vst v63  }
0xc6: {  	p0 =	sne.s32 s1, $0x1;
	_ =	swait.ge [sflag:s4], $0x4000  }
.Ltmp1:
0xc7: {  	[sflag:s4] =	ssyncset.done $0x0;
	(pc) =	sbr.rel @p0 .LBB2_1-.Ltmp1, $4  }
0xc8: {  	[sflag:s4] =	ssyncadd.s32 $0xFFFFC000  }
0xc9: {  	[bflag:$0x0] =	sbarrier.arrive $0xFFFF  }
0xca: {  	[hbm:s31], [sflag:s5] =	dma.local [spmem:s6], $0x500  }
0xcb: {  	s1 =	sadd.s32 $0xFFFFFFFF, s1;
	_ =	swait.ge [sflag:s4], $0x500  }
.LBB2_2:
0xcc: {  	[sflag:s4] =	ssyncset.done $0x0  }
0xcd: {  	[sflag:s4] =	ssyncadd.s32 $0xFFFFFB00  }
0xce: {  	_ =	sfence.sel $0x180000  }
0xcf: {  	[bflag:$0x0] =	sbarrier.arrive $0xFFFF  }
0xd0: {  	_ =	strace $0x90000047  }
0xd1: {  	s0 =	stileid.u32;
	[bflag:$0x2] =	sbarrier.arrive $0xFFFF  }
0xd2: {  	p0 =	sne.s32 s0, $0x0;
	s0 =	rddreg [dreg:$0x2]  }
0xd3: {  	s0 =	sadd.s32 @!p0 $0x100000, s0  }
0xd4: {  	[sflag:s0] =	ssyncadd.tile.s32 @!p0 $0x1;
	_ =	shalt  }
.Lfunc_end2:
_tile_overlayer_lowered:
.L_overlay_start_2:
0xd5: {  	(tag) =	ssettag $0x2  }
0xd6: {  	s0 =	rddreg [dreg:$0x0];
	s2 =	stileid.u32  }
0xd7: {  	s1 =	rddreg [dreg:$0x1];
	p0 =	sne.s32 s2, $0x0  }
0xd8: {  	s3 =	rddreg [dreg:$0x2];
	[bflag:$0x3] =	sbarrier.arrive $0xFFFF;
	s2 =	simm.s32 @!p0 $0x1C02  }
0xd9: {  	[timem:s3], [sflag:s2] =	dma.local @!p0 [hbm:s0], s1  }
0xda: {  	s0 =	simm.s32 @!p0 $0x2  }
0xdb: {  	_ =	swait.ge @!p0 [sflag:s0], s1  }
0xdc: {  	s1 =	ssub.s32 @!p0 $0x0, s1;
	[sflag:s0] =	ssyncset.done @!p0 $0x0  }
0xdd: {  	[sflag:s0] =	ssyncadd.s32 @!p0 s1  }
0xde: {  	[bflag:$0x3] =	sbarrier.arrive $0xFFFF  }
0xdf: {  	_ =	shalt  }

// kernel: kernel.13.cloned.1.call-start
scs
__scs_entry_jumppad:
0x0: {  	(pc) =	sbr.rel $0x88, $3  }
0x1: {  	(tag) =	ssettag $0x0;
	lr =	simm.s32 $0x1  }
0x2: {  	[smem:$0x3F95] =	sst lr;
	_ =	strace $0xD0000000  }
0x3: {  	_ = 	snop  }
0x4: {  	_ = 	snop  }
0x5: {  	_ = 	snop  }
0x6: {  	_ = 	snop  }
0x7: {  	_ = 	snop  }
__scs_overlays_trampoline_lowered:
0x8: {  	[smem:$0x3FA4] =	sst s0  }
0x9: {  	[smem:$0x3FA5] =	sst s1  }
0xa: {  	[smem:$0x3FA6] =	sst s2  }
0xb: {  	[smem:$0x3FA7] =	sst s3  }
0xc: {  	[smem:$0x3FA8] =	sst s4  }
0xd: {  	[smem:$0x3FA9] =	sst s5  }
0xe: {  	[smem:$0x3FAA] =	sst s6  }
0xf: {  	[smem:$0x3FAB] =	sst s7  }
0x10: {  	[smem:$0x3FAC] =	sst s8  }
0x11: {  	[smem:$0x3FAD] =	sst s9;
	s0 =	simm.s32 @!p0 $0x0  }
0x12: {  	s1 =	sld [smem:$0x3F93];
	s0 =	simm.s32 @p0 $0x1  }
0x13: {  	[smem:$0x3FAE] =	sst s0;
	s0 =	simm.s32 @!p1 $0x0  }
0x14: {  	s2 =	sld [smem:$0x3F92];
	s0 =	simm.s32 @p1 $0x1  }
0x15: {  	[smem:$0x3FAF] =	sst s0;
	s0 =	simm.s32 @!p2 $0x0  }
0x16: {  	s3 =	sld [smem:$0x3FDB];
	s0 =	simm.s32 @p2 $0x1  }
0x17: {  	s4 =	simm.s32 $0x1BF5;
	[smem:$0x3FB1] =	sst s0  }
0x18: {  	s0 =	sld [smem:$0x3F94];
	_ =	swait.ge [sflag:s4], $0x0  }
0x19: {  	s7 =	sld [smem:$0x3F95]  }
0x1a: {  	s8 =	sadd.s32 $0xFFFFE003, lr  }
0x1b: {  	s9 =	sadd.s32 $0xFFFFFEF7, lr;
	s5 =	simm.s32 $0xFFFFFFFF;
	p2 =	slt.u32 s8, $0xFFFFF086  }
0x1c: {  	p1 =	slt.u32 s9, $0xF7A;
	s5 =	simm.s32 @!p2 $0x0  }
0x1d: {  	s5 =	simm.s32 @p1 $0x1;
	p0 =	seq.s32 s7, s2  }
0x1e: {  	s7 =	smul.u32 @!p0 $0xF7A, s2;
	p2 =	seq.s32 @!p0 s5, $0x0  }
0x1f: {  	s9 =	smul.u32 $0xF7A, s1;
	s8 =	simm.s32 @!p0 $0x1BF5;
	p2 =	por !p2, p0  }
0x20: {  	[sflag:s8] =	ssyncset.s32 @!p0 $0xFFFFF086;
	s6 =	sadd.s32 @!p0 s3, s7;
	s7 =	simm.s32 @!p0 $0x108  }
0x21: {  	s3 =	sadd.s32 s3, s9;
	s6 =	sadd.s32 @!p0 $0x88, s6;
	s7 =	simm.s32 @p2 $0x1082  }
0x22: {  	[simem:s7], [sflag:s8] =	dma.local @!p0 [hbm:s6], $0xF7A  }
0x23: {  	s9 =	sor.u32 $0xD0000000, s2;
	s6 =	simm.s32 $0x108;
	_ =	swait.ge @!p0 [sflag:s8], $0x0  }
0x24: {  	s3 =	sadd.s32 $0x88, s3;
	s6 =	simm.s32 @!p1 $0x1082;
	[sflag:s4] =	ssyncset.s32 $0xFFFFF086  }
0x25: {  	[simem:s6], [sflag:s4] =	dma.local [hbm:s3], $0xF7A  }
0x26: {  	[smem:$0x3F95] =	sst s1;
	(tag) =	ssettag s2;
	_ =	strace s9  }
0x27: {  	s1 =	sld [smem:$0x3FA5]  }
0x28: {  	s2 =	sld [smem:$0x3FA6]  }
0x29: {  	s4 =	sld [smem:$0x3FA8]  }
0x2a: {  	p0 =	seq.s32 s5, $0x0;
	s5 =	sld [smem:$0x3FA9]  }
0x2b: {  	s6 =	sld [smem:$0x3FAA]  }
0x2c: {  	s7 =	sld [smem:$0x3FAB]  }
0x2d: {  	s3 =	simm.s32 $0x108;
	s8 =	sld [smem:$0x3FAC]  }
0x2e: {  	s3 =	simm.s32 @!p0 $0x1082;
	s9 =	sld [smem:$0x3FAD]  }
0x2f: {  	lr =	sadd.s32 s0, s3;
	s0 =	sld [smem:$0x3FA4]  }
0x30: {  	s3 =	sld [smem:$0x3FA7]  }
0x31: {  	[smem:$0x3FB0] =	sst s10  }
0x32: {  	s10 =	sld [smem:$0x3FAE];
	_ =	sdelay $0x3  }
0x33: {  	p0 =	seq.s32 s10, $0x1;
	s10 =	sld [smem:$0x3FB0];
	_ =	sdelay $0x3  }
0x34: {  	[smem:$0x3FB0] =	sst s10  }
0x35: {  	s10 =	sld [smem:$0x3FAF];
	_ =	sdelay $0x3  }
0x36: {  	p1 =	seq.s32 s10, $0x1;
	s10 =	sld [smem:$0x3FB0];
	_ =	sdelay $0x3  }
0x37: {  	[smem:$0x3FB0] =	sst s10  }
0x38: {  	s10 =	sld [smem:$0x3FB1]  }
0x39: {  	_ = 	snop;
	(pc) =	sbr.ind lr, $3  }
0x3a: {  	_ = 	snop  }
0x3b: {  	_ = 	snop  }
0x3c: {  	p2 =	seq.s32 s10, $0x1;
	s10 =	sld [smem:$0x3FB0]  }
0x3d: {  	_ =	shalt  }
0x3e: {  	_ =	shalt  }
0x3f: {  	_ =	shalt  }
0x40: {  	_ =	shalt  }
0x41: {  	_ =	shalt  }
0x42: {  	_ =	shalt  }
0x43: {  	_ =	shalt  }
0x44: {  	_ =	shalt  }
0x45: {  	_ =	shalt  }
0x46: {  	_ =	shalt  }
0x47: {  	_ =	shalt  }
0x48: {  	_ =	shalt  }
0x49: {  	_ =	shalt  }
0x4a: {  	_ =	shalt  }
0x4b: {  	_ =	shalt  }
0x4c: {  	_ =	shalt  }
0x4d: {  	_ =	shalt  }
0x4e: {  	_ =	shalt  }
0x4f: {  	_ =	shalt  }
0x50: {  	_ =	shalt  }
0x51: {  	_ =	shalt  }
0x52: {  	_ =	shalt  }
0x53: {  	_ =	shalt  }
0x54: {  	_ =	shalt  }
0x55: {  	_ =	shalt  }
0x56: {  	_ =	shalt  }
0x57: {  	_ =	shalt  }
0x58: {  	_ =	shalt  }
0x59: {  	_ =	shalt  }
0x5a: {  	_ =	shalt  }
0x5b: {  	_ =	shalt  }
0x5c: {  	_ =	shalt  }
0x5d: {  	_ =	shalt  }
0x5e: {  	_ =	shalt  }
0x5f: {  	_ =	shalt  }
0x60: {  	_ =	shalt  }
0x61: {  	_ =	shalt  }
0x62: {  	_ =	shalt  }
0x63: {  	_ =	shalt  }
0x64: {  	_ =	shalt  }
0x65: {  	_ =	shalt  }
0x66: {  	_ =	shalt  }
0x67: {  	_ =	shalt  }
0x68: {  	_ =	shalt  }
0x69: {  	_ =	shalt  }
0x6a: {  	_ =	shalt  }
0x6b: {  	_ =	shalt  }
0x6c: {  	_ =	shalt  }
0x6d: {  	_ =	shalt  }
0x6e: {  	_ =	shalt  }
0x6f: {  	_ =	shalt  }
0x70: {  	_ =	shalt  }
0x71: {  	_ =	shalt  }
0x72: {  	_ =	shalt  }
0x73: {  	_ =	shalt  }
0x74: {  	_ =	shalt  }
0x75: {  	_ =	shalt  }
0x76: {  	_ =	shalt  }
0x77: {  	_ =	shalt  }
0x78: {  	_ =	shalt  }
0x79: {  	_ =	shalt  }
0x7a: {  	_ =	shalt  }
0x7b: {  	_ =	shalt  }
0x7c: {  	_ =	shalt  }
0x7d: {  	_ =	shalt  }
0x7e: {  	_ =	shalt  }
0x7f: {  	_ =	shalt  }
0x80: {  	_ =	shalt  }
0x81: {  	_ =	shalt  }
0x82: {  	_ =	shalt  }
0x83: {  	_ =	shalt  }
0x84: {  	_ =	shalt  }
0x85: {  	_ =	shalt  }
0x86: {  	_ =	shalt  }
0x87: {  	_ =	shalt  }
.Lfunc_end0:
.L_simem_size_0:
called_computation.1_lowered:
.L_overlay_start_0:
0x88: {  	s2 =	sld [smem:$0x3FD9]  }
0x89: {  	s3 =	sld [smem:$0x3FFE];
	_ =	sdelay $0x1  }
0x8a: {  	s1 =	srdreg.scid  }
0x8b: {  	s0 =	sand.u32 $0x1, s1  }
0x8c: {  	s16 =	sshll.u32 s0, $0xA;
	s2 =	sadd.s32 s3, s2  }
0x8d: {  	s2 =	sadd.s32 s2, s16  }
0x8e: {  	[smem:$0x3FBC] =	sst s2  }
0x8f: {  	_ = 	snop  }
0x90: {  	(tm) =	ssettm $0x1  }
0x91: {  	s17 =	sld [smem:$0x3FFB];
	_ =	sdelay $0x3  }
0x92: {  	_ =	strace s17  }
0x93: {  	s2 =	sld [smem:$0x3FFC];
	_ =	sdelay $0x3  }
0x94: {  	_ =	strace s2  }
0x95: {  	s2 =	sld [smem:$0x3FFD];
	_ =	sdelay $0x3  }
0x96: {  	_ =	strace s2  }
0x97: {  	_ =	strace $0x8FFFFFFF  }
0x98: {  	s18 =	sld [smem:$0x3FDB];
	_ =	sdelay $0x1  }
0x99: {  	s19 =	simm.s32 $_scs_section_size  }
0x9a: {  	s4 =	simm.s32 $_size__tile_overlayer_lowered;
	s5 =	simm.s32 $_tile_overlayer_lowered  }
0x9b: {  	s22 =	simm.s32 $0x1BFF;
	s21 =	sshll.u32 s5, $0x1;
	s2 =	sadd.s32 s19, s18  }
0x9c: {  	s6 =	simm.s32 $0x0;
	s20 =	sshll.u32 s4, $0x1;
	s4 =	sadd.s32 s21, s2  }
0x9d: {  	[timem:s6], [sflag:s22] =	dma.local [hbm:s4], s20  }
0x9e: {  	_ =	swait.ge [sflag:s22], s20  }
0x9f: {  	s3 =	ssub.s32 $0x0, s20;
	[sflag:s22] =	ssyncset.done $0x0  }
0xa0: {  	[sflag:s22] =	ssyncadd.s32 s3;
	_ =	sdelay $0x1  }
0xa1: {  	s23 =	simm.s32 $0x1B8B  }
0xa2: {  	_ =	swait.ge [sflag:s23], $0x1  }
0xa3: {  	[sflag:s23] =	ssyncset.done $0x0  }
0xa4: {  	s25 =	simm.s32 $0x1B8E;
	s24 =	sld [smem:$0x3FFE];
	[sflag:s23] =	ssyncadd.s32 $0xFFFFFFFF  }
0xa5: {  	s26 =	simm.s32 $execute0_lowered;
	[smem:$0x3FD2] =	sst s25  }
0xa6: {  	s4 =	sshll.u32 s26, $0x1;
	_ =	strace $0x80000049;
	[dreg:$0x1] =	wrdreg $0xFFFFFFFF  }
0xa7: {  	s28 =	simm.s32 $_size_execute0_lowered;
	s2 =	sadd.s32 s2, s4;
	[dreg:$0x0] =	wrdreg $0x0  }
0xa8: {  	s4 =	sshll.u32 s28, $0x1;
	[dreg:$0x2] =	wrdreg s2  }
0xa9: {  	[dreg:$0x3] =	wrdreg s4  }
0xaa: {  	[dreg:$0x4] =	wrdreg $0xC0  }
0xab: {  	_ =	task [dreg:s6], $0x5FFFF  }
0xac: {  	[dreg:$0x1] =	wrdreg $0xFFFFFFFF  }
0xad: {  	[dreg:$0x0] =	wrdreg $0x60  }
0xae: {  	[dreg:$0x2] =	wrdreg s24  }
0xaf: {  	[dreg:$0x3] =	wrdreg $0xB0400  }
0xb0: {  	[dreg:$0x4] =	wrdreg $0x9  }
0xb1: {  	_ =	task.clear_ibuf [dreg:s6], $0x5FFFF;
	_ =	strace $0x90000049  }
0xb2: {  	s29 =	simm.s32 $0x9;
	_ =	strace $0x8000004B  }
0xb3: {  	_ =	swait.ge [sflag:s29], $0x1  }
0xb4: {  	[sflag:s29] =	ssyncadd.s32 $0xFFFFFFFF  }
0xb5: {  	_ =	strace $0x9000004B  }
0xb6: {  	_ =	sfence  }
0xb7: {  	s30 =	sld [smem:$0x0];
	_ =	sdelay $0x2  }
0xb8: {  	s31 =	sshll.u32 s1, $0xD;
	s1 =	sshrl.u32 s1, $0x2  }
0xb9: {  	s3 =	sand.u32 $0x4000, s31;
	s1 =	sadd.s32 s1, s30  }
0xba: {  	s0 =	sor.u32 s3, s0;
	s1 =	sshll.u32 s1, $0x11  }
0xbb: {  	s0 =	sor.u32 s1, s0  }
0xbc: {  	s0 =	sadd.s32 $0x8F2B, s0  }
0xbd: {  	[sflag:s0] =	ssyncadd.remote.s32 $0x1  }
0xbe: {  	_ =	sfence.sel $0xFFFF  }
0xbf: {  	[dreg:$0x0] =	wrdreg $0xFFFFFFFF;
	(pc) =	sbr.abs _section_cstart, $3  }
0xc0: {  	[dreg:$0x1] =	wrdreg $0xFFFFFFFF  }
0xc1: {  	_ =	task.clear_ibuf [dreg:s6], $0x2FFFF;
	_ =	strace $0x9FFFFFFF  }
0xc2: {  	(tm) =	ssettm $0x7FFFFFFF  }
0xc3: {  	_ =	shalt  }
tec
execute0_lowered:
.L_overlay_start_1:
0x0: {  	(tag) =	ssettag $0x1  }
0x1: {  	s5 =	rddreg [dreg:$0x0]  }
0x2: {  	s1 =	srdreg.scid;
	s0 =	stileid.u32  }
0x3: {  	s2 =	rddreg [dreg:$0x1];
	s3 =	simm.s32 $0x0;
	s15 =	simm.s32 $0x9C40  }
0x4: {  	s16 =	simm.s32 $0x1;
	s17 =	simm.s32 $0x10;
	s7 =	smul.u32 $0x4E20, s0  }
0x5: {  	s18 =	simm.s32 $0x8;
	s19 =	simm.s32 $0x0;
	s9 =	smul.u32 $0x14000, s0  }
0x6: {  	s6 =	sand.u32 $0x1, s1;
	s1 =	rddreg [dreg:$0x2];
	s10 =	smul.u32 $0xA000, s0  }
0x7: {  	[smem:$0x7FF] =	sst s3;
	s31 =	sshll.u32 s0, $0x6;
	s4 =	smul.u32 $0x4E200, s6  }
0x8: {  	_ =	strace $0x8000004A;
	s11 =	sshll.u32 s6, $0x6;
	s6 =	ssub.s32 $0x2, s6  }
0x9: {  	s26 =	sor.u32 s11, s9;
	s28 =	sshrl.u32 s10, $0x3;
	s30 =	sshrl.u32 s6, $0x1  }
0xa: {  	s14 =	sadd.s32 s10, s2;
	s8 =	sadd.s32 s7, s4;
	s4 =	sadd.s32 $0x1CC00, s5  }
0xb: {  	s7 =	sshrl.u32 s7, $0x3;
	s9 =	sadd.s32 s28, s5;
	s13 =	ssub.s32 s6, s30  }
0xc: {  	s6 =	sor.u32 $0x1C02, s31;
	s11 =	sshrl.u32 s14, $0x3;
	s14 =	simm.s32 $0x50  }
0xd: {  	s8 =	sshrl.u32 s8, $0x3;
	s12 =	sadd.s32 s7, s5;
	s7 =	sshrl.u32 s26, $0x3  }
0xe: {  	s10 =	smax.u32 s13, $0x1;
	s13 =	simm.s32 $0x4E20;
	s8 =	sadd.s32 s8, s5  }
0xf: {  	s29 =	sadd.s32 s7, s5;
	s5 =	sadd.s32 $0x57800, s9;
	s7 =	sadd.s32 $0x43E00, s8  }
0x10: {  	s8 =	sadd.s32 $0x3E00, s12;
	s9 =	sadd.s32 $0x6B800, s29;
	s12 =	simm.s32 $0x2  }
.LBB2_1:
0x11: {  	[spmem:s11], [sflag:s6] =	dma.local [hbm:s5], $0x1400  }
0x12: {  	_ =	swait.ge [sflag:s12], $0x1400  }
0x13: {  	[sflag:s12] =	ssyncset.done $0x0  }
0x14: {  	[sflag:s12] =	ssyncadd.s32 $0xFFFFEC00  }
0x15: {  	[tilespmem:s3], [sflag:$0x2] =	stream.linear.gather [hbm4b:s7+s3], $0x4E20, $0x38;
	[tilespmem:$0x15040] =	vst v63  }
0x16: {  	_ =	swait.ge [sflag:s12], $0x4E20  }
0x17: {  	[sflag:s12] =	ssyncset.done $0x0  }
0x18: {  	[sflag:s12] =	ssyncadd.s32 $0xFFFFB1E0  }
0x19: {  	[tilespmem:s13], [sflag:$0x2] =	stream.linear.gather [hbm4b:s8+s3], $0x4E20, $0x38;
	[tilespmem:$0x15040] =	vst v63  }
0x1a: {  	_ =	swait.ge [sflag:s12], $0x4E20  }
0x1b: {  	[sflag:s12] =	ssyncset.done $0x0  }
0x1c: {  	[sflag:s12] =	ssyncadd.s32 $0xFFFFB1E0  }
0x1d: {  	s20 =	simm.s32 $0x0;
	[bflag:$0x0] =	sbarrier.arrive $0xFFFF  }
0x1e: {  	[tilespmem:s15], [sflag:$0x1] =	stream.indirect.gather [hbm4b:s4+s14], $0x40, s20, s14, $0xb8;
	[tilespmem:$0x15040] =	vst v63  }
0x1f: {  	_ =	swait.ge [sflag:s16], $0x1400  }
0x20: {  	[sflag:s16] =	ssyncset.done $0x0  }
0x21: {  	s31 =	simm.s32 $0x4E20;
	[sflag:s16] =	ssyncadd.s32 $0xFFFFEC00  }
0x22: {  	[spmem:s2] =	stream.indirect.scatter.add.f32 [tilespmem:s15], [sflag:$0x2], $0x40, s31, s14, $0xb8;
	[tilespmem:$0x15040] =	vst v63  }
0x23: {  	_ =	swait.ge [sflag:s12], $0x1400  }
0x24: {  	s21 =	simm.s32 $0x280;
	s20 =	simm.s32 $0x140;
	[sflag:s12] =	ssyncset.done $0x0  }
.LBB2_2:
0x25: {  	s22 =	sshra.s32 s20, $0x2  }
0x26: {  	[sflag:s12] =	ssyncadd.s32 $0xFFFFEC00;
	s20 =	smov.u32 s21;
	s23 =	sadd.s32 $0x140, s21  }
0x27: {  	[tilespmem:s15], [sflag:$0x1] =	stream.indirect.gather [hbm4b:s4+s14], $0x40, s22, s14, $0xb8;
	[tilespmem:$0x15040] =	vst v63  }
0x28: {  	p0 =	sne.s32 s21, $0x13740;
	_ =	swait.ge [sflag:s16], $0x1400  }
.Ltmp0:
0x29: {  	[sflag:s16] =	ssyncset.done $0x0;
	(pc) =	sbr.rel @p0 .LBB2_2-.Ltmp0, $4  }
0x2a: {  	s21 =	sadd.s32 $0x4E20, s22;
	[sflag:s16] =	ssyncadd.s32 $0xFFFFEC00  }
0x2b: {  	[spmem:s2] =	stream.indirect.scatter.add.f32 [tilespmem:s15], [sflag:$0x2], $0x40, s21, s14, $0xb8;
	[tilespmem:$0x15040] =	vst v63  }
0x2c: {  	_ =	swait.ge [sflag:s12], $0x1400  }
0x2d: {  	s21 =	smov.u32 s23;
	[sflag:s12] =	ssyncset.done $0x0  }
0x2e: {  	s20 =	sshra.s32 s20, $0x2;
	[sflag:s12] =	ssyncadd.s32 $0xFFFFEC00  }
0x2f: {  	[tilespmem:s15], [sflag:$0x1] =	stream.indirect.gather [hbm4b:s4+s14], $0x40, s20, s14, $0xb8;
	[tilespmem:$0x15040] =	vst v63  }
0x30: {  	_ =	swait.ge [sflag:s16], $0x1400  }
0x31: {  	[sflag:s16] =	ssyncset.done $0x0  }
0x32: {  	s20 =	sadd.s32 $0x4E20, s20;
	[sflag:s16] =	ssyncadd.s32 $0xFFFFEC00  }
0x33: {  	[spmem:s2] =	stream.indirect.scatter.add.f32 [tilespmem:s15], [sflag:$0x2], $0x40, s20, s14, $0xb8;
	[tilespmem:$0x15040] =	vst v63  }
0x34: {  	_ =	swait.ge [sflag:s12], $0x1400  }
0x35: {  	s19 =	sadd.s32 $0x1, s19;
	[sflag:s12] =	ssyncset.done $0x0  }
0x36: {  	p0 =	sne.s32 s19, s10;
	[sflag:s12] =	ssyncadd.s32 $0xFFFFEC00  }
.Ltmp1:
0x37: {  	[bflag:$0x0] =	sbarrier.arrive $0xFFFF;
	(pc) =	sbr.rel @p0 .LBB2_1-.Ltmp1, $4  }
0x38: {  	[hbm:s9@s17], [sflag:s6] =	dma.strided [spmem:s11@s18], $0x1400, s16, $0x8   }
0x39: {  	_ =	swait.ge [sflag:s12], $0x1400  }
0x3a: {  	[sflag:s12] =	ssyncset.done $0x0  }
0x3b: {  	[sflag:s12] =	ssyncadd.s32 $0xFFFFEC00  }
0x3c: {  	_ =	sfence.sel $0x180000  }
0x3d: {  	[bflag:$0x0] =	sbarrier.arrive $0xFFFF  }
0x3e: {  	p0 =	sne.s32 s0, $0x0;
	_ =	strace $0x9000004A  }
0x3f: {  	s0 =	sadd.s32 @!p0 $0x100000, s1;
	[bflag:$0x2] =	sbarrier.arrive $0xFFFF  }
0x40: {  	[sflag:s0] =	ssyncadd.tile.s32 @!p0 $0x1;
	_ =	shalt  }
.Lfunc_end2:
_tile_overlayer_lowered:
.L_overlay_start_2:
0x41: {  	(tag) =	ssettag $0x2  }
0x42: {  	s0 =	rddreg [dreg:$0x0];
	s2 =	stileid.u32  }
0x43: {  	s1 =	rddreg [dreg:$0x1];
	p0 =	sne.s32 s2, $0x0  }
0x44: {  	s3 =	rddreg [dreg:$0x2];
	[bflag:$0x3] =	sbarrier.arrive $0xFFFF;
	s2 =	simm.s32 @!p0 $0x1C02  }
0x45: {  	[timem:s3], [sflag:s2] =	dma.local @!p0 [hbm:s0], s1  }
0x46: {  	s0 =	simm.s32 @!p0 $0x2  }
0x47: {  	_ =	swait.ge @!p0 [sflag:s0], s1  }
0x48: {  	s1 =	ssub.s32 @!p0 $0x0, s1;
	[sflag:s0] =	ssyncset.done @!p0 $0x0  }
0x49: {  	[sflag:s0] =	ssyncadd.s32 @!p0 s1  }
0x4a: {  	[bflag:$0x3] =	sbarrier.arrive $0xFFFF  }
0x4b: {  	_ =	shalt  }

// kernel: kernel.16.cloned.1.call-start
scs
__scs_entry_jumppad:
0x0: {  	(pc) =	sbr.rel $0x88, $3  }
0x1: {  	(tag) =	ssettag $0x0;
	lr =	simm.s32 $0x1  }
0x2: {  	[smem:$0x3F95] =	sst lr;
	_ =	strace $0xD0000000  }
0x3: {  	_ = 	snop  }
0x4: {  	_ = 	snop  }
0x5: {  	_ = 	snop  }
0x6: {  	_ = 	snop  }
0x7: {  	_ = 	snop  }
__scs_overlays_trampoline_lowered:
0x8: {  	[smem:$0x3FA4] =	sst s0  }
0x9: {  	[smem:$0x3FA5] =	sst s1  }
0xa: {  	[smem:$0x3FA6] =	sst s2  }
0xb: {  	[smem:$0x3FA7] =	sst s3  }
0xc: {  	[smem:$0x3FA8] =	sst s4  }
0xd: {  	[smem:$0x3FA9] =	sst s5  }
0xe: {  	[smem:$0x3FAA] =	sst s6  }
0xf: {  	[smem:$0x3FAB] =	sst s7  }
0x10: {  	[smem:$0x3FAC] =	sst s8  }
0x11: {  	[smem:$0x3FAD] =	sst s9;
	s0 =	simm.s32 @!p0 $0x0  }
0x12: {  	s1 =	sld [smem:$0x3F93];
	s0 =	simm.s32 @p0 $0x1  }
0x13: {  	[smem:$0x3FAE] =	sst s0;
	s0 =	simm.s32 @!p1 $0x0  }
0x14: {  	s2 =	sld [smem:$0x3F92];
	s0 =	simm.s32 @p1 $0x1  }
0x15: {  	[smem:$0x3FAF] =	sst s0;
	s0 =	simm.s32 @!p2 $0x0  }
0x16: {  	s3 =	sld [smem:$0x3FDB];
	s0 =	simm.s32 @p2 $0x1  }
0x17: {  	s4 =	simm.s32 $0x1BF5;
	[smem:$0x3FB1] =	sst s0  }
0x18: {  	s0 =	sld [smem:$0x3F94];
	_ =	swait.ge [sflag:s4], $0x0  }
0x19: {  	s7 =	sld [smem:$0x3F95]  }
0x1a: {  	s8 =	sadd.s32 $0xFFFFE003, lr  }
0x1b: {  	s9 =	sadd.s32 $0xFFFFFEF7, lr;
	s5 =	simm.s32 $0xFFFFFFFF;
	p2 =	slt.u32 s8, $0xFFFFF086  }
0x1c: {  	p1 =	slt.u32 s9, $0xF7A;
	s5 =	simm.s32 @!p2 $0x0  }
0x1d: {  	s5 =	simm.s32 @p1 $0x1;
	p0 =	seq.s32 s7, s2  }
0x1e: {  	s7 =	smul.u32 @!p0 $0xF7A, s2;
	p2 =	seq.s32 @!p0 s5, $0x0  }
0x1f: {  	s9 =	smul.u32 $0xF7A, s1;
	s8 =	simm.s32 @!p0 $0x1BF5;
	p2 =	por !p2, p0  }
0x20: {  	[sflag:s8] =	ssyncset.s32 @!p0 $0xFFFFF086;
	s6 =	sadd.s32 @!p0 s3, s7;
	s7 =	simm.s32 @!p0 $0x108  }
0x21: {  	s3 =	sadd.s32 s3, s9;
	s6 =	sadd.s32 @!p0 $0x88, s6;
	s7 =	simm.s32 @p2 $0x1082  }
0x22: {  	[simem:s7], [sflag:s8] =	dma.local @!p0 [hbm:s6], $0xF7A  }
0x23: {  	s9 =	sor.u32 $0xD0000000, s2;
	s6 =	simm.s32 $0x108;
	_ =	swait.ge @!p0 [sflag:s8], $0x0  }
0x24: {  	s3 =	sadd.s32 $0x88, s3;
	s6 =	simm.s32 @!p1 $0x1082;
	[sflag:s4] =	ssyncset.s32 $0xFFFFF086  }
0x25: {  	[simem:s6], [sflag:s4] =	dma.local [hbm:s3], $0xF7A  }
0x26: {  	[smem:$0x3F95] =	sst s1;
	(tag) =	ssettag s2;
	_ =	strace s9  }
0x27: {  	s1 =	sld [smem:$0x3FA5]  }
0x28: {  	s2 =	sld [smem:$0x3FA6]  }
0x29: {  	s4 =	sld [smem:$0x3FA8]  }
0x2a: {  	p0 =	seq.s32 s5, $0x0;
	s5 =	sld [smem:$0x3FA9]  }
0x2b: {  	s6 =	sld [smem:$0x3FAA]  }
0x2c: {  	s7 =	sld [smem:$0x3FAB]  }
0x2d: {  	s3 =	simm.s32 $0x108;
	s8 =	sld [smem:$0x3FAC]  }
0x2e: {  	s3 =	simm.s32 @!p0 $0x1082;
	s9 =	sld [smem:$0x3FAD]  }
0x2f: {  	lr =	sadd.s32 s0, s3;
	s0 =	sld [smem:$0x3FA4]  }
0x30: {  	s3 =	sld [smem:$0x3FA7]  }
0x31: {  	[smem:$0x3FB0] =	sst s10  }
0x32: {  	s10 =	sld [smem:$0x3FAE];
	_ =	sdelay $0x3  }
0x33: {  	p0 =	seq.s32 s10, $0x1;
	s10 =	sld [smem:$0x3FB0];
	_ =	sdelay $0x3  }
0x34: {  	[smem:$0x3FB0] =	sst s10  }
0x35: {  	s10 =	sld [smem:$0x3FAF];
	_ =	sdelay $0x3  }
0x36: {  	p1 =	seq.s32 s10, $0x1;
	s10 =	sld [smem:$0x3FB0];
	_ =	sdelay $0x3  }
0x37: {  	[smem:$0x3FB0] =	sst s10  }
0x38: {  	s10 =	sld [smem:$0x3FB1]  }
0x39: {  	_ = 	snop;
	(pc) =	sbr.ind lr, $3  }
0x3a: {  	_ = 	snop  }
0x3b: {  	_ = 	snop  }
0x3c: {  	p2 =	seq.s32 s10, $0x1;
	s10 =	sld [smem:$0x3FB0]  }
0x3d: {  	_ =	shalt  }
0x3e: {  	_ =	shalt  }
0x3f: {  	_ =	shalt  }
0x40: {  	_ =	shalt  }
0x41: {  	_ =	shalt  }
0x42: {  	_ =	shalt  }
0x43: {  	_ =	shalt  }
0x44: {  	_ =	shalt  }
0x45: {  	_ =	shalt  }
0x46: {  	_ =	shalt  }
0x47: {  	_ =	shalt  }
0x48: {  	_ =	shalt  }
0x49: {  	_ =	shalt  }
0x4a: {  	_ =	shalt  }
0x4b: {  	_ =	shalt  }
0x4c: {  	_ =	shalt  }
0x4d: {  	_ =	shalt  }
0x4e: {  	_ =	shalt  }
0x4f: {  	_ =	shalt  }
0x50: {  	_ =	shalt  }
0x51: {  	_ =	shalt  }
0x52: {  	_ =	shalt  }
0x53: {  	_ =	shalt  }
0x54: {  	_ =	shalt  }
0x55: {  	_ =	shalt  }
0x56: {  	_ =	shalt  }
0x57: {  	_ =	shalt  }
0x58: {  	_ =	shalt  }
0x59: {  	_ =	shalt  }
0x5a: {  	_ =	shalt  }
0x5b: {  	_ =	shalt  }
0x5c: {  	_ =	shalt  }
0x5d: {  	_ =	shalt  }
0x5e: {  	_ =	shalt  }
0x5f: {  	_ =	shalt  }
0x60: {  	_ =	shalt  }
0x61: {  	_ =	shalt  }
0x62: {  	_ =	shalt  }
0x63: {  	_ =	shalt  }
0x64: {  	_ =	shalt  }
0x65: {  	_ =	shalt  }
0x66: {  	_ =	shalt  }
0x67: {  	_ =	shalt  }
0x68: {  	_ =	shalt  }
0x69: {  	_ =	shalt  }
0x6a: {  	_ =	shalt  }
0x6b: {  	_ =	shalt  }
0x6c: {  	_ =	shalt  }
0x6d: {  	_ =	shalt  }
0x6e: {  	_ =	shalt  }
0x6f: {  	_ =	shalt  }
0x70: {  	_ =	shalt  }
0x71: {  	_ =	shalt  }
0x72: {  	_ =	shalt  }
0x73: {  	_ =	shalt  }
0x74: {  	_ =	shalt  }
0x75: {  	_ =	shalt  }
0x76: {  	_ =	shalt  }
0x77: {  	_ =	shalt  }
0x78: {  	_ =	shalt  }
0x79: {  	_ =	shalt  }
0x7a: {  	_ =	shalt  }
0x7b: {  	_ =	shalt  }
0x7c: {  	_ =	shalt  }
0x7d: {  	_ =	shalt  }
0x7e: {  	_ =	shalt  }
0x7f: {  	_ =	shalt  }
0x80: {  	_ =	shalt  }
0x81: {  	_ =	shalt  }
0x82: {  	_ =	shalt  }
0x83: {  	_ =	shalt  }
0x84: {  	_ =	shalt  }
0x85: {  	_ =	shalt  }
0x86: {  	_ =	shalt  }
0x87: {  	_ =	shalt  }
.Lfunc_end0:
.L_simem_size_0:
called_computation.2_lowered:
.L_overlay_start_0:
0x88: {  	s2 =	sld [smem:$0x3FD9]  }
0x89: {  	s3 =	sld [smem:$0x3FFE];
	_ =	sdelay $0x1  }
0x8a: {  	s1 =	srdreg.scid  }
0x8b: {  	s0 =	sand.u32 $0x1, s1  }
0x8c: {  	s16 =	sshll.u32 s0, $0xA;
	s2 =	sadd.s32 s3, s2  }
0x8d: {  	s2 =	sadd.s32 s2, s16  }
0x8e: {  	[smem:$0x3FBC] =	sst s2  }
0x8f: {  	_ = 	snop  }
0x90: {  	(tm) =	ssettm $0x1  }
0x91: {  	s17 =	sld [smem:$0x3FFB];
	_ =	sdelay $0x3  }
0x92: {  	_ =	strace s17  }
0x93: {  	s2 =	sld [smem:$0x3FFC];
	_ =	sdelay $0x3  }
0x94: {  	_ =	strace s2  }
0x95: {  	s2 =	sld [smem:$0x3FFD];
	_ =	sdelay $0x3  }
0x96: {  	_ =	strace s2  }
0x97: {  	_ =	strace $0x8FFFFFFF  }
0x98: {  	s18 =	sld [smem:$0x3FDB];
	_ =	sdelay $0x1  }
0x99: {  	s19 =	simm.s32 $_scs_section_size  }
0x9a: {  	s4 =	simm.s32 $_size__tile_overlayer_lowered;
	s5 =	simm.s32 $_tile_overlayer_lowered  }
0x9b: {  	s22 =	simm.s32 $0x1BFF;
	s21 =	sshll.u32 s5, $0x1;
	s2 =	sadd.s32 s19, s18  }
0x9c: {  	s6 =	simm.s32 $0x0;
	s20 =	sshll.u32 s4, $0x1;
	s4 =	sadd.s32 s21, s2  }
0x9d: {  	[timem:s6], [sflag:s22] =	dma.local [hbm:s4], s20  }
0x9e: {  	_ =	swait.ge [sflag:s22], s20  }
0x9f: {  	s3 =	ssub.s32 $0x0, s20;
	[sflag:s22] =	ssyncset.done $0x0  }
0xa0: {  	[sflag:s22] =	ssyncadd.s32 s3;
	_ =	sdelay $0x1  }
0xa1: {  	s23 =	simm.s32 $0x1B8B  }
0xa2: {  	_ =	swait.ge [sflag:s23], $0x1  }
0xa3: {  	[sflag:s23] =	ssyncset.done $0x0  }
0xa4: {  	s25 =	simm.s32 $0x1B8E;
	s24 =	sld [smem:$0x3FFE];
	[sflag:s23] =	ssyncadd.s32 $0xFFFFFFFF  }
0xa5: {  	s26 =	simm.s32 $execute0_lowered;
	[smem:$0x3FD2] =	sst s25  }
0xa6: {  	s4 =	sshll.u32 s26, $0x1;
	_ =	strace $0x8000004C;
	[dreg:$0x1] =	wrdreg $0xFFFFFFFF  }
0xa7: {  	s28 =	simm.s32 $_size_execute0_lowered;
	s2 =	sadd.s32 s2, s4;
	[dreg:$0x0] =	wrdreg $0x0  }
0xa8: {  	s4 =	sshll.u32 s28, $0x1;
	[dreg:$0x2] =	wrdreg s2  }
0xa9: {  	[dreg:$0x3] =	wrdreg s4  }
0xaa: {  	[dreg:$0x4] =	wrdreg $0xC0  }
0xab: {  	_ =	task [dreg:s6], $0x5FFFF  }
0xac: {  	[dreg:$0x1] =	wrdreg $0xFFFFFFFF  }
0xad: {  	[dreg:$0x0] =	wrdreg $0x60  }
0xae: {  	[dreg:$0x2] =	wrdreg s24  }
0xaf: {  	[dreg:$0x3] =	wrdreg $0xB0400  }
0xb0: {  	[dreg:$0x4] =	wrdreg $0x9  }
0xb1: {  	_ =	task.clear_ibuf [dreg:s6], $0x5FFFF;
	_ =	strace $0x9000004C  }
0xb2: {  	s29 =	simm.s32 $0x9;
	_ =	strace $0x8000004E  }
0xb3: {  	_ =	swait.ge [sflag:s29], $0x1  }
0xb4: {  	[sflag:s29] =	ssyncadd.s32 $0xFFFFFFFF  }
0xb5: {  	_ =	strace $0x9000004E  }
0xb6: {  	_ =	sfence  }
0xb7: {  	s30 =	sld [smem:$0x0];
	_ =	sdelay $0x2  }
0xb8: {  	s31 =	sshll.u32 s1, $0xD;
	s1 =	sshrl.u32 s1, $0x2  }
0xb9: {  	s3 =	sand.u32 $0x4000, s31;
	s1 =	sadd.s32 s1, s30  }
0xba: {  	s0 =	sor.u32 s3, s0;
	s1 =	sshll.u32 s1, $0x11  }
0xbb: {  	s0 =	sor.u32 s1, s0  }
0xbc: {  	s0 =	sadd.s32 $0x8F2B, s0  }
0xbd: {  	[sflag:s0] =	ssyncadd.remote.s32 $0x1  }
0xbe: {  	_ =	sfence.sel $0xFFFF  }
0xbf: {  	[dreg:$0x0] =	wrdreg $0xFFFFFFFF;
	(pc) =	sbr.abs _section_cstart, $3  }
0xc0: {  	[dreg:$0x1] =	wrdreg $0xFFFFFFFF  }
0xc1: {  	_ =	task.clear_ibuf [dreg:s6], $0x2FFFF;
	_ =	strace $0x9FFFFFFF  }
0xc2: {  	(tm) =	ssettm $0x7FFFFFFF  }
0xc3: {  	_ =	shalt  }
tec
execute0_lowered:
.L_overlay_start_1:
0x0: {  	(tag) =	ssettag $0x1  }
0x1: {  	s5 =	rddreg [dreg:$0x0]  }
0x2: {  	s1 =	srdreg.scid;
	s0 =	stileid.u32  }
0x3: {  	s2 =	rddreg [dreg:$0x1];
	s3 =	simm.s32 $0x0;
	s15 =	simm.s32 $0x9C40  }
0x4: {  	s16 =	simm.s32 $0x1;
	s17 =	simm.s32 $0x10;
	s7 =	smul.u32 $0x4E20, s0  }
0x5: {  	s18 =	simm.s32 $0x8;
	s19 =	simm.s32 $0x0;
	s9 =	smul.u32 $0x14000, s0  }
0x6: {  	s6 =	sand.u32 $0x1, s1;
	s1 =	rddreg [dreg:$0x2];
	s10 =	smul.u32 $0xA000, s0  }
0x7: {  	[smem:$0x7FF] =	sst s3;
	s31 =	sshll.u32 s0, $0x6;
	s4 =	smul.u32 $0x4E200, s6  }
0x8: {  	_ =	strace $0x8000004D;
	s11 =	sshll.u32 s6, $0x6;
	s6 =	ssub.s32 $0x2, s6  }
0x9: {  	s26 =	sor.u32 s11, s9;
	s28 =	sshrl.u32 s10, $0x3;
	s30 =	sshrl.u32 s6, $0x1  }
0xa: {  	s14 =	sadd.s32 s10, s2;
	s8 =	sadd.s32 s7, s4;
	s4 =	sadd.s32 $0x1CC00, s5  }
0xb: {  	s7 =	sshrl.u32 s7, $0x3;
	s9 =	sadd.s32 s28, s5;
	s13 =	ssub.s32 s6, s30  }
0xc: {  	s6 =	sor.u32 $0x1C02, s31;
	s11 =	sshrl.u32 s14, $0x3;
	s14 =	simm.s32 $0x50  }
0xd: {  	s8 =	sshrl.u32 s8, $0x3;
	s12 =	sadd.s32 s7, s5;
	s7 =	sshrl.u32 s26, $0x3  }
0xe: {  	s10 =	smax.u32 s13, $0x1;
	s13 =	simm.s32 $0x4E20;
	s8 =	sadd.s32 s8, s5  }
0xf: {  	s29 =	sadd.s32 s7, s5;
	s5 =	sadd.s32 $0x57800, s9;
	s7 =	sadd.s32 $0x43E00, s8  }
0x10: {  	s8 =	sadd.s32 $0x3E00, s12;
	s9 =	sadd.s32 $0x6B800, s29;
	s12 =	simm.s32 $0x2  }
.LBB2_1:
0x11: {  	[spmem:s11], [sflag:s6] =	dma.local [hbm:s5], $0x1400  }
0x12: {  	_ =	swait.ge [sflag:s12], $0x1400  }
0x13: {  	[sflag:s12] =	ssyncset.done $0x0  }
0x14: {  	[sflag:s12] =	ssyncadd.s32 $0xFFFFEC00  }
0x15: {  	[tilespmem:s3], [sflag:$0x2] =	stream.linear.gather [hbm4b:s7+s3], $0x4E20, $0x38;
	[tilespmem:$0x15040] =	vst v63  }
0x16: {  	_ =	swait.ge [sflag:s12], $0x4E20  }
0x17: {  	[sflag:s12] =	ssyncset.done $0x0  }
0x18: {  	[sflag:s12] =	ssyncadd.s32 $0xFFFFB1E0  }
0x19: {  	[tilespmem:s13], [sflag:$0x2] =	stream.linear.gather [hbm4b:s8+s3], $0x4E20, $0x38;
	[tilespmem:$0x15040] =	vst v63  }
0x1a: {  	_ =	swait.ge [sflag:s12], $0x4E20  }
0x1b: {  	[sflag:s12] =	ssyncset.done $0x0  }
0x1c: {  	[sflag:s12] =	ssyncadd.s32 $0xFFFFB1E0  }
0x1d: {  	s20 =	simm.s32 $0x0;
	[bflag:$0x0] =	sbarrier.arrive $0xFFFF  }
0x1e: {  	[tilespmem:s15], [sflag:$0x1] =	stream.indirect.gather [hbm4b:s4+s14], $0x40, s20, s14, $0xb8;
	[tilespmem:$0x15040] =	vst v63  }
0x1f: {  	_ =	swait.ge [sflag:s16], $0x1400  }
0x20: {  	[sflag:s16] =	ssyncset.done $0x0  }
0x21: {  	s31 =	simm.s32 $0x4E20;
	[sflag:s16] =	ssyncadd.s32 $0xFFFFEC00  }
0x22: {  	[spmem:s2] =	stream.indirect.scatter.add.f32 [tilespmem:s15], [sflag:$0x2], $0x40, s31, s14, $0xb8;
	[tilespmem:$0x15040] =	vst v63  }
0x23: {  	_ =	swait.ge [sflag:s12], $0x1400  }
0x24: {  	s21 =	simm.s32 $0x280;
	s20 =	simm.s32 $0x140;
	[sflag:s12] =	ssyncset.done $0x0  }
.LBB2_2:
0x25: {  	s22 =	sshra.s32 s20, $0x2  }
0x26: {  	[sflag:s12] =	ssyncadd.s32 $0xFFFFEC00;
	s20 =	smov.u32 s21;
	s23 =	sadd.s32 $0x140, s21  }
0x27: {  	[tilespmem:s15], [sflag:$0x1] =	stream.indirect.gather [hbm4b:s4+s14], $0x40, s22, s14, $0xb8;
	[tilespmem:$0x15040] =	vst v63  }
0x28: {  	p0 =	sne.s32 s21, $0x13740;
	_ =	swait.ge [sflag:s16], $0x1400  }
.Ltmp0:
0x29: {  	[sflag:s16] =	ssyncset.done $0x0;
	(pc) =	sbr.rel @p0 .LBB2_2-.Ltmp0, $4  }
0x2a: {  	s21 =	sadd.s32 $0x4E20, s22;
	[sflag:s16] =	ssyncadd.s32 $0xFFFFEC00  }
0x2b: {  	[spmem:s2] =	stream.indirect.scatter.add.f32 [tilespmem:s15], [sflag:$0x2], $0x40, s21, s14, $0xb8;
	[tilespmem:$0x15040] =	vst v63  }
0x2c: {  	_ =	swait.ge [sflag:s12], $0x1400  }
0x2d: {  	s21 =	smov.u32 s23;
	[sflag:s12] =	ssyncset.done $0x0  }
0x2e: {  	s20 =	sshra.s32 s20, $0x2;
	[sflag:s12] =	ssyncadd.s32 $0xFFFFEC00  }
0x2f: {  	[tilespmem:s15], [sflag:$0x1] =	stream.indirect.gather [hbm4b:s4+s14], $0x40, s20, s14, $0xb8;
	[tilespmem:$0x15040] =	vst v63  }
0x30: {  	_ =	swait.ge [sflag:s16], $0x1400  }
0x31: {  	[sflag:s16] =	ssyncset.done $0x0  }
0x32: {  	s20 =	sadd.s32 $0x4E20, s20;
	[sflag:s16] =	ssyncadd.s32 $0xFFFFEC00  }
0x33: {  	[spmem:s2] =	stream.indirect.scatter.add.f32 [tilespmem:s15], [sflag:$0x2], $0x40, s20, s14, $0xb8;
	[tilespmem:$0x15040] =	vst v63  }
0x34: {  	_ =	swait.ge [sflag:s12], $0x1400  }
0x35: {  	s19 =	sadd.s32 $0x1, s19;
	[sflag:s12] =	ssyncset.done $0x0  }
0x36: {  	p0 =	sne.s32 s19, s10;
	[sflag:s12] =	ssyncadd.s32 $0xFFFFEC00  }
.Ltmp1:
0x37: {  	[bflag:$0x0] =	sbarrier.arrive $0xFFFF;
	(pc) =	sbr.rel @p0 .LBB2_1-.Ltmp1, $4  }
0x38: {  	[hbm:s9@s17], [sflag:s6] =	dma.strided [spmem:s11@s18], $0x1400, s16, $0x8   }
0x39: {  	_ =	swait.ge [sflag:s12], $0x1400  }
0x3a: {  	[sflag:s12] =	ssyncset.done $0x0  }
0x3b: {  	[sflag:s12] =	ssyncadd.s32 $0xFFFFEC00  }
0x3c: {  	_ =	sfence.sel $0x180000  }
0x3d: {  	[bflag:$0x0] =	sbarrier.arrive $0xFFFF  }
0x3e: {  	p0 =	sne.s32 s0, $0x0;
	_ =	strace $0x9000004D  }
0x3f: {  	s0 =	sadd.s32 @!p0 $0x100000, s1;
	[bflag:$0x2] =	sbarrier.arrive $0xFFFF  }
0x40: {  	[sflag:s0] =	ssyncadd.tile.s32 @!p0 $0x1;
	_ =	shalt  }
.Lfunc_end2:
_tile_overlayer_lowered:
.L_overlay_start_2:
0x41: {  	(tag) =	ssettag $0x2  }
0x42: {  	s0 =	rddreg [dreg:$0x0];
	s2 =	stileid.u32  }
0x43: {  	s1 =	rddreg [dreg:$0x1];
	p0 =	sne.s32 s2, $0x0  }
0x44: {  	s3 =	rddreg [dreg:$0x2];
	[bflag:$0x3] =	sbarrier.arrive $0xFFFF;
	s2 =	simm.s32 @!p0 $0x1C02  }
0x45: {  	[timem:s3], [sflag:s2] =	dma.local @!p0 [hbm:s0], s1  }
0x46: {  	s0 =	simm.s32 @!p0 $0x2  }
0x47: {  	_ =	swait.ge @!p0 [sflag:s0], s1  }
0x48: {  	s1 =	ssub.s32 @!p0 $0x0, s1;
	[sflag:s0] =	ssyncset.done @!p0 $0x0  }
0x49: {  	[sflag:s0] =	ssyncadd.s32 @!p0 s1  }
0x4a: {  	[bflag:$0x3] =	sbarrier.arrive $0xFFFF  }
0x4b: {  	_ =	shalt  }

// kernel: kernel.19.cloned.1.call-start
scs
__scs_entry_jumppad:
0x0: {  	(pc) =	sbr.rel $0x88, $3  }
0x1: {  	(tag) =	ssettag $0x0;
	lr =	simm.s32 $0x1  }
0x2: {  	[smem:$0x3F95] =	sst lr;
	_ =	strace $0xD0000000  }
0x3: {  	_ = 	snop  }
0x4: {  	_ = 	snop  }
0x5: {  	_ = 	snop  }
0x6: {  	_ = 	snop  }
0x7: {  	_ = 	snop  }
__scs_overlays_trampoline_lowered:
0x8: {  	[smem:$0x3FA4] =	sst s0  }
0x9: {  	[smem:$0x3FA5] =	sst s1  }
0xa: {  	[smem:$0x3FA6] =	sst s2  }
0xb: {  	[smem:$0x3FA7] =	sst s3  }
0xc: {  	[smem:$0x3FA8] =	sst s4  }
0xd: {  	[smem:$0x3FA9] =	sst s5  }
0xe: {  	[smem:$0x3FAA] =	sst s6  }
0xf: {  	[smem:$0x3FAB] =	sst s7  }
0x10: {  	[smem:$0x3FAC] =	sst s8  }
0x11: {  	[smem:$0x3FAD] =	sst s9;
	s0 =	simm.s32 @!p0 $0x0  }
0x12: {  	s1 =	sld [smem:$0x3F93];
	s0 =	simm.s32 @p0 $0x1  }
0x13: {  	[smem:$0x3FAE] =	sst s0;
	s0 =	simm.s32 @!p1 $0x0  }
0x14: {  	s2 =	sld [smem:$0x3F92];
	s0 =	simm.s32 @p1 $0x1  }
0x15: {  	[smem:$0x3FAF] =	sst s0;
	s0 =	simm.s32 @!p2 $0x0  }
0x16: {  	s3 =	sld [smem:$0x3FDB];
	s0 =	simm.s32 @p2 $0x1  }
0x17: {  	s4 =	simm.s32 $0x1BF5;
	[smem:$0x3FB1] =	sst s0  }
0x18: {  	s0 =	sld [smem:$0x3F94];
	_ =	swait.ge [sflag:s4], $0x0  }
0x19: {  	s7 =	sld [smem:$0x3F95]  }
0x1a: {  	s8 =	sadd.s32 $0xFFFFE003, lr  }
0x1b: {  	s9 =	sadd.s32 $0xFFFFFEF7, lr;
	s5 =	simm.s32 $0xFFFFFFFF;
	p2 =	slt.u32 s8, $0xFFFFF086  }
0x1c: {  	p1 =	slt.u32 s9, $0xF7A;
	s5 =	simm.s32 @!p2 $0x0  }
0x1d: {  	s5 =	simm.s32 @p1 $0x1;
	p0 =	seq.s32 s7, s2  }
0x1e: {  	s7 =	smul.u32 @!p0 $0xF7A, s2;
	p2 =	seq.s32 @!p0 s5, $0x0  }
0x1f: {  	s9 =	smul.u32 $0xF7A, s1;
	s8 =	simm.s32 @!p0 $0x1BF5;
	p2 =	por !p2, p0  }
0x20: {  	[sflag:s8] =	ssyncset.s32 @!p0 $0xFFFFF086;
	s6 =	sadd.s32 @!p0 s3, s7;
	s7 =	simm.s32 @!p0 $0x108  }
0x21: {  	s3 =	sadd.s32 s3, s9;
	s6 =	sadd.s32 @!p0 $0x88, s6;
	s7 =	simm.s32 @p2 $0x1082  }
0x22: {  	[simem:s7], [sflag:s8] =	dma.local @!p0 [hbm:s6], $0xF7A  }
0x23: {  	s9 =	sor.u32 $0xD0000000, s2;
	s6 =	simm.s32 $0x108;
	_ =	swait.ge @!p0 [sflag:s8], $0x0  }
0x24: {  	s3 =	sadd.s32 $0x88, s3;
	s6 =	simm.s32 @!p1 $0x1082;
	[sflag:s4] =	ssyncset.s32 $0xFFFFF086  }
0x25: {  	[simem:s6], [sflag:s4] =	dma.local [hbm:s3], $0xF7A  }
0x26: {  	[smem:$0x3F95] =	sst s1;
	(tag) =	ssettag s2;
	_ =	strace s9  }
0x27: {  	s1 =	sld [smem:$0x3FA5]  }
0x28: {  	s2 =	sld [smem:$0x3FA6]  }
0x29: {  	s4 =	sld [smem:$0x3FA8]  }
0x2a: {  	p0 =	seq.s32 s5, $0x0;
	s5 =	sld [smem:$0x3FA9]  }
0x2b: {  	s6 =	sld [smem:$0x3FAA]  }
0x2c: {  	s7 =	sld [smem:$0x3FAB]  }
0x2d: {  	s3 =	simm.s32 $0x108;
	s8 =	sld [smem:$0x3FAC]  }
0x2e: {  	s3 =	simm.s32 @!p0 $0x1082;
	s9 =	sld [smem:$0x3FAD]  }
0x2f: {  	lr =	sadd.s32 s0, s3;
	s0 =	sld [smem:$0x3FA4]  }
0x30: {  	s3 =	sld [smem:$0x3FA7]  }
0x31: {  	[smem:$0x3FB0] =	sst s10  }
0x32: {  	s10 =	sld [smem:$0x3FAE];
	_ =	sdelay $0x3  }
0x33: {  	p0 =	seq.s32 s10, $0x1;
	s10 =	sld [smem:$0x3FB0];
	_ =	sdelay $0x3  }
0x34: {  	[smem:$0x3FB0] =	sst s10  }
0x35: {  	s10 =	sld [smem:$0x3FAF];
	_ =	sdelay $0x3  }
0x36: {  	p1 =	seq.s32 s10, $0x1;
	s10 =	sld [smem:$0x3FB0];
	_ =	sdelay $0x3  }
0x37: {  	[smem:$0x3FB0] =	sst s10  }
0x38: {  	s10 =	sld [smem:$0x3FB1]  }
0x39: {  	_ = 	snop;
	(pc) =	sbr.ind lr, $3  }
0x3a: {  	_ = 	snop  }
0x3b: {  	_ = 	snop  }
0x3c: {  	p2 =	seq.s32 s10, $0x1;
	s10 =	sld [smem:$0x3FB0]  }
0x3d: {  	_ =	shalt  }
0x3e: {  	_ =	shalt  }
0x3f: {  	_ =	shalt  }
0x40: {  	_ =	shalt  }
0x41: {  	_ =	shalt  }
0x42: {  	_ =	shalt  }
0x43: {  	_ =	shalt  }
0x44: {  	_ =	shalt  }
0x45: {  	_ =	shalt  }
0x46: {  	_ =	shalt  }
0x47: {  	_ =	shalt  }
0x48: {  	_ =	shalt  }
0x49: {  	_ =	shalt  }
0x4a: {  	_ =	shalt  }
0x4b: {  	_ =	shalt  }
0x4c: {  	_ =	shalt  }
0x4d: {  	_ =	shalt  }
0x4e: {  	_ =	shalt  }
0x4f: {  	_ =	shalt  }
0x50: {  	_ =	shalt  }
0x51: {  	_ =	shalt  }
0x52: {  	_ =	shalt  }
0x53: {  	_ =	shalt  }
0x54: {  	_ =	shalt  }
0x55: {  	_ =	shalt  }
0x56: {  	_ =	shalt  }
0x57: {  	_ =	shalt  }
0x58: {  	_ =	shalt  }
0x59: {  	_ =	shalt  }
0x5a: {  	_ =	shalt  }
0x5b: {  	_ =	shalt  }
0x5c: {  	_ =	shalt  }
0x5d: {  	_ =	shalt  }
0x5e: {  	_ =	shalt  }
0x5f: {  	_ =	shalt  }
0x60: {  	_ =	shalt  }
0x61: {  	_ =	shalt  }
0x62: {  	_ =	shalt  }
0x63: {  	_ =	shalt  }
0x64: {  	_ =	shalt  }
0x65: {  	_ =	shalt  }
0x66: {  	_ =	shalt  }
0x67: {  	_ =	shalt  }
0x68: {  	_ =	shalt  }
0x69: {  	_ =	shalt  }
0x6a: {  	_ =	shalt  }
0x6b: {  	_ =	shalt  }
0x6c: {  	_ =	shalt  }
0x6d: {  	_ =	shalt  }
0x6e: {  	_ =	shalt  }
0x6f: {  	_ =	shalt  }
0x70: {  	_ =	shalt  }
0x71: {  	_ =	shalt  }
0x72: {  	_ =	shalt  }
0x73: {  	_ =	shalt  }
0x74: {  	_ =	shalt  }
0x75: {  	_ =	shalt  }
0x76: {  	_ =	shalt  }
0x77: {  	_ =	shalt  }
0x78: {  	_ =	shalt  }
0x79: {  	_ =	shalt  }
0x7a: {  	_ =	shalt  }
0x7b: {  	_ =	shalt  }
0x7c: {  	_ =	shalt  }
0x7d: {  	_ =	shalt  }
0x7e: {  	_ =	shalt  }
0x7f: {  	_ =	shalt  }
0x80: {  	_ =	shalt  }
0x81: {  	_ =	shalt  }
0x82: {  	_ =	shalt  }
0x83: {  	_ =	shalt  }
0x84: {  	_ =	shalt  }
0x85: {  	_ =	shalt  }
0x86: {  	_ =	shalt  }
0x87: {  	_ =	shalt  }
.Lfunc_end0:
.L_simem_size_0:
called_computation.3_lowered:
.L_overlay_start_0:
0x88: {  	s2 =	sld [smem:$0x3FD9]  }
0x89: {  	s3 =	sld [smem:$0x3FFE];
	_ =	sdelay $0x1  }
0x8a: {  	s1 =	srdreg.scid  }
0x8b: {  	s0 =	sand.u32 $0x1, s1  }
0x8c: {  	s16 =	sshll.u32 s0, $0xA;
	s2 =	sadd.s32 s3, s2  }
0x8d: {  	s2 =	sadd.s32 s2, s16  }
0x8e: {  	[smem:$0x3FBC] =	sst s2  }
0x8f: {  	_ = 	snop  }
0x90: {  	(tm) =	ssettm $0x1  }
0x91: {  	s17 =	sld [smem:$0x3FFB];
	_ =	sdelay $0x3  }
0x92: {  	_ =	strace s17  }
0x93: {  	s2 =	sld [smem:$0x3FFC];
	_ =	sdelay $0x3  }
0x94: {  	_ =	strace s2  }
0x95: {  	s2 =	sld [smem:$0x3FFD];
	_ =	sdelay $0x3  }
0x96: {  	_ =	strace s2  }
0x97: {  	_ =	strace $0x8FFFFFFF  }
0x98: {  	s18 =	sld [smem:$0x3FDB];
	_ =	sdelay $0x1  }
0x99: {  	s19 =	simm.s32 $_scs_section_size  }
0x9a: {  	s4 =	simm.s32 $_size__tile_overlayer_lowered;
	s5 =	simm.s32 $_tile_overlayer_lowered  }
0x9b: {  	s22 =	simm.s32 $0x1BFF;
	s21 =	sshll.u32 s5, $0x1;
	s2 =	sadd.s32 s19, s18  }
0x9c: {  	s6 =	simm.s32 $0x0;
	s20 =	sshll.u32 s4, $0x1;
	s4 =	sadd.s32 s21, s2  }
0x9d: {  	[timem:s6], [sflag:s22] =	dma.local [hbm:s4], s20  }
0x9e: {  	_ =	swait.ge [sflag:s22], s20  }
0x9f: {  	s3 =	ssub.s32 $0x0, s20;
	[sflag:s22] =	ssyncset.done $0x0  }
0xa0: {  	[sflag:s22] =	ssyncadd.s32 s3;
	_ =	sdelay $0x1  }
0xa1: {  	s23 =	simm.s32 $0x1B8B  }
0xa2: {  	_ =	swait.ge [sflag:s23], $0x1  }
0xa3: {  	[sflag:s23] =	ssyncset.done $0x0  }
0xa4: {  	s25 =	simm.s32 $0x1B8E;
	s24 =	sld [smem:$0x3FFE];
	[sflag:s23] =	ssyncadd.s32 $0xFFFFFFFF  }
0xa5: {  	s26 =	simm.s32 $execute0_lowered;
	[smem:$0x3FD2] =	sst s25  }
0xa6: {  	s4 =	sshll.u32 s26, $0x1;
	_ =	strace $0x8000004F;
	[dreg:$0x1] =	wrdreg $0xFFFFFFFF  }
0xa7: {  	s28 =	simm.s32 $_size_execute0_lowered;
	s2 =	sadd.s32 s2, s4;
	[dreg:$0x0] =	wrdreg $0x0  }
0xa8: {  	s4 =	sshll.u32 s28, $0x1;
	[dreg:$0x2] =	wrdreg s2  }
0xa9: {  	[dreg:$0x3] =	wrdreg s4  }
0xaa: {  	[dreg:$0x4] =	wrdreg $0xC0  }
0xab: {  	_ =	task [dreg:s6], $0x5FFFF  }
0xac: {  	[dreg:$0x1] =	wrdreg $0xFFFFFFFF  }
0xad: {  	[dreg:$0x0] =	wrdreg $0x60  }
0xae: {  	[dreg:$0x2] =	wrdreg s24  }
0xaf: {  	[dreg:$0x3] =	wrdreg $0x90000  }
0xb0: {  	[dreg:$0x4] =	wrdreg $0x9  }
0xb1: {  	_ =	task.clear_ibuf [dreg:s6], $0x5FFFF;
	_ =	strace $0x9000004F  }
0xb2: {  	s29 =	simm.s32 $0x9;
	_ =	strace $0x80000051  }
0xb3: {  	_ =	swait.ge [sflag:s29], $0x1  }
0xb4: {  	[sflag:s29] =	ssyncadd.s32 $0xFFFFFFFF  }
0xb5: {  	_ =	strace $0x90000051  }
0xb6: {  	_ =	sfence  }
0xb7: {  	s30 =	sld [smem:$0x0];
	_ =	sdelay $0x2  }
0xb8: {  	s31 =	sshll.u32 s1, $0xD;
	s1 =	sshrl.u32 s1, $0x2  }
0xb9: {  	s3 =	sand.u32 $0x4000, s31;
	s1 =	sadd.s32 s1, s30  }
0xba: {  	s0 =	sor.u32 s3, s0;
	s1 =	sshll.u32 s1, $0x11  }
0xbb: {  	s0 =	sor.u32 s1, s0  }
0xbc: {  	s0 =	sadd.s32 $0x8F2B, s0  }
0xbd: {  	[sflag:s0] =	ssyncadd.remote.s32 $0x1  }
0xbe: {  	_ =	sfence.sel $0xFFFF  }
0xbf: {  	[dreg:$0x0] =	wrdreg $0xFFFFFFFF;
	(pc) =	sbr.abs _section_cstart, $3  }
0xc0: {  	[dreg:$0x1] =	wrdreg $0xFFFFFFFF  }
0xc1: {  	_ =	task.clear_ibuf [dreg:s6], $0x2FFFF;
	_ =	strace $0x9FFFFFFF  }
0xc2: {  	(tm) =	ssettm $0x7FFFFFFF  }
0xc3: {  	_ =	shalt  }
tec
execute0_lowered:
.L_overlay_start_1:
0x0: {  	(tag) =	ssettag $0x1  }
0x1: {  	s0 =	stileid.u32;
	s1 =	srdreg.scid  }
0x2: {  	s9 =	rddreg [dreg:$0x0];
	s4 =	smul.u32 $0x2800, s0;
	s1 =	sand.u32 $0x1, s1  }
0x3: {  	s2 =	rddreg [dreg:$0x1];
	s3 =	simm.s32 $0x0;
	s6 =	smul.u32 $0x28000, s1  }
0x4: {  	[smem:$0x7FF] =	sst s3;
	s5 =	sshrl.u32 s4, $0x3  }
0x5: {  	s23 =	sshll.u32 s0, $0x6;
	s5 =	sadd.s32 s5, s9;
	s6 =	sadd.s32 s4, s6  }
0x6: {  	_ =	strace $0x80000050;
	s5 =	sadd.s32 $0x17C00, s5;
	s6 =	sshrl.u32 s6, $0x3  }
0x7: {  	s24 =	sadd.s32 s4, s2;
	[dreg:$0x3] =	wrdreg s5;
	s31 =	sadd.s32 s6, s9  }
0x8: {  	s4 =	sor.u32 $0x1C02, s23;
	s7 =	rddreg [dreg:$0x3];
	s25 =	sadd.s32 $0x93800, s31  }
0x9: {  	s6 =	sshrl.u32 s24, $0x3;
	s5 =	simm.s32 $0x2;
	[dreg:$0x4] =	wrdreg s25  }
0xa: {  	[spmem:s6], [sflag:s4] =	dma.local [hbm:s7], $0x500  }
0xb: {  	_ =	swait.ge [sflag:s5], $0x500  }
0xc: {  	[sflag:s5] =	ssyncset.done $0x0  }
0xd: {  	s26 =	rddreg [dreg:$0x4];
	[sflag:s5] =	ssyncadd.s32 $0xFFFFFB00  }
0xe: {  	[tilespmem:s3], [sflag:$0x2] =	stream.linear.gather [hbm4b:s26+s3], $0x2800, $0x38;
	[tilespmem:$0xB800] =	vst v63  }
0xf: {  	_ =	swait.ge [sflag:s5], $0x2800  }
0x10: {  	[sflag:s5] =	ssyncset.done $0x0  }
0x11: {  	s8 =	simm.s32 $0x2800;
	s7 =	sadd.s32 $0xDC00, s31;
	[sflag:s5] =	ssyncadd.s32 $0xFFFFD800  }
0x12: {  	[tilespmem:s8], [sflag:$0x2] =	stream.linear.gather [hbm4b:s7+s3], $0x2800, $0x38;
	[tilespmem:$0xB800] =	vst v63  }
0x13: {  	_ =	swait.ge [sflag:s5], $0x2800  }
0x14: {  	[sflag:s5] =	ssyncset.done $0x0  }
0x15: {  	s10 =	simm.s32 $0x400;
	s11 =	simm.s32 $0x5000;
	[sflag:s5] =	ssyncadd.s32 $0xFFFFD800  }
0x16: {  	s12 =	simm.s32 $0x1;
	s9 =	sadd.s32 $0x3E00, s9;
	[bflag:$0x0] =	sbarrier.arrive $0xFFFF  }
0x17: {  	[tilespmem:s11], [sflag:$0x1] =	stream.indirect.gather [hbm4b:s9+s10], $0x10, s3, s10, $0xb8;
	[tilespmem:$0xB800] =	vst v63  }
0x18: {  	_ =	swait.ge [sflag:s12], $0x4000  }
0x19: {  	[sflag:s12] =	ssyncset.done $0x0  }
0x1a: {  	[sflag:s12] =	ssyncadd.s32 $0xFFFFC000  }
0x1b: {  	[spmem:s2] =	stream.indirect.scatter.add.f32 [tilespmem:s11], [sflag:$0x2], $0x10, s8, s10, $0xb8;
	[tilespmem:$0xB800] =	vst v63  }
0x1c: {  	_ =	swait.ge [sflag:s5], $0x4000  }
0x1d: {  	[sflag:s5] =	ssyncset.done $0x0  }
0x1e: {  	[sflag:s5] =	ssyncadd.s32 $0xFFFFC000  }
0x1f: {  	[tilespmem:s11], [sflag:$0x1] =	stream.indirect.gather [hbm4b:s9+s10], $0x10, s10, s10, $0xb8;
	[tilespmem:$0xB800] =	vst v63  }
0x20: {  	_ =	swait.ge [sflag:s12], $0x4000  }
0x21: {  	[sflag:s12] =	ssyncset.done $0x0  }
0x22: {  	s13 =	simm.s32 $0x2C00;
	[sflag:s12] =	ssyncadd.s32 $0xFFFFC000  }
0x23: {  	[spmem:s2] =	stream.indirect.scatter.add.f32 [tilespmem:s11], [sflag:$0x2], $0x10, s13, s10, $0xb8;
	[tilespmem:$0xB800] =	vst v63  }
0x24: {  	_ =	swait.ge [sflag:s5], $0x4000  }
0x25: {  	[sflag:s5] =	ssyncset.done $0x0  }
0x26: {  	s14 =	simm.s32 $0x800;
	[sflag:s5] =	ssyncadd.s32 $0xFFFFC000  }
0x27: {  	[tilespmem:s11], [sflag:$0x1] =	stream.indirect.gather [hbm4b:s9+s10], $0x10, s14, s10, $0xb8;
	[tilespmem:$0xB800] =	vst v63  }
0x28: {  	_ =	swait.ge [sflag:s12], $0x4000  }
0x29: {  	[sflag:s12] =	ssyncset.done $0x0  }
0x2a: {  	s15 =	simm.s32 $0x3000;
	[sflag:s12] =	ssyncadd.s32 $0xFFFFC000  }
0x2b: {  	[spmem:s2] =	stream.indirect.scatter.add.f32 [tilespmem:s11], [sflag:$0x2], $0x10, s15, s10, $0xb8;
	[tilespmem:$0xB800] =	vst v63  }
0x2c: {  	_ =	swait.ge [sflag:s5], $0x4000  }
0x2d: {  	[sflag:s5] =	ssyncset.done $0x0  }
0x2e: {  	s16 =	simm.s32 $0xC00;
	[sflag:s5] =	ssyncadd.s32 $0xFFFFC000  }
0x2f: {  	[tilespmem:s11], [sflag:$0x1] =	stream.indirect.gather [hbm4b:s9+s10], $0x10, s16, s10, $0xb8;
	[tilespmem:$0xB800] =	vst v63  }
0x30: {  	_ =	swait.ge [sflag:s12], $0x4000  }
0x31: {  	[sflag:s12] =	ssyncset.done $0x0  }
0x32: {  	s17 =	simm.s32 $0x3400;
	[sflag:s12] =	ssyncadd.s32 $0xFFFFC000  }
0x33: {  	[spmem:s2] =	stream.indirect.scatter.add.f32 [tilespmem:s11], [sflag:$0x2], $0x10, s17, s10, $0xb8;
	[tilespmem:$0xB800] =	vst v63  }
0x34: {  	_ =	swait.ge [sflag:s5], $0x4000  }
0x35: {  	[sflag:s5] =	ssyncset.done $0x0  }
0x36: {  	s18 =	simm.s32 $0x1000;
	[sflag:s5] =	ssyncadd.s32 $0xFFFFC000  }
0x37: {  	[tilespmem:s11], [sflag:$0x1] =	stream.indirect.gather [hbm4b:s9+s10], $0x10, s18, s10, $0xb8;
	[tilespmem:$0xB800] =	vst v63  }
0x38: {  	_ =	swait.ge [sflag:s12], $0x4000  }
0x39: {  	[sflag:s12] =	ssyncset.done $0x0  }
0x3a: {  	s19 =	simm.s32 $0x3800;
	[sflag:s12] =	ssyncadd.s32 $0xFFFFC000  }
0x3b: {  	[spmem:s2] =	stream.indirect.scatter.add.f32 [tilespmem:s11], [sflag:$0x2], $0x10, s19, s10, $0xb8;
	[tilespmem:$0xB800] =	vst v63  }
0x3c: {  	_ =	swait.ge [sflag:s5], $0x4000  }
0x3d: {  	[sflag:s5] =	ssyncset.done $0x0  }
0x3e: {  	s20 =	simm.s32 $0x1400;
	[sflag:s5] =	ssyncadd.s32 $0xFFFFC000  }
0x3f: {  	[tilespmem:s11], [sflag:$0x1] =	stream.indirect.gather [hbm4b:s9+s10], $0x10, s20, s10, $0xb8;
	[tilespmem:$0xB800] =	vst v63  }
0x40: {  	_ =	swait.ge [sflag:s12], $0x4000  }
0x41: {  	[sflag:s12] =	ssyncset.done $0x0  }
0x42: {  	s21 =	simm.s32 $0x3C00;
	[sflag:s12] =	ssyncadd.s32 $0xFFFFC000  }
0x43: {  	[spmem:s2] =	stream.indirect.scatter.add.f32 [tilespmem:s11], [sflag:$0x2], $0x10, s21, s10, $0xb8;
	[tilespmem:$0xB800] =	vst v63  }
0x44: {  	_ =	swait.ge [sflag:s5], $0x4000  }
0x45: {  	[sflag:s5] =	ssyncset.done $0x0  }
0x46: {  	s22 =	simm.s32 $0x1800;
	[sflag:s5] =	ssyncadd.s32 $0xFFFFC000  }
0x47: {  	[tilespmem:s11], [sflag:$0x1] =	stream.indirect.gather [hbm4b:s9+s10], $0x10, s22, s10, $0xb8;
	[tilespmem:$0xB800] =	vst v63  }
0x48: {  	_ =	swait.ge [sflag:s12], $0x4000  }
0x49: {  	[sflag:s12] =	ssyncset.done $0x0  }
0x4a: {  	s23 =	simm.s32 $0x4000;
	[sflag:s12] =	ssyncadd.s32 $0xFFFFC000  }
0x4b: {  	[spmem:s2] =	stream.indirect.scatter.add.f32 [tilespmem:s11], [sflag:$0x2], $0x10, s23, s10, $0xb8;
	[tilespmem:$0xB800] =	vst v63  }
0x4c: {  	_ =	swait.ge [sflag:s5], $0x4000  }
0x4d: {  	[sflag:s5] =	ssyncset.done $0x0  }
0x4e: {  	s24 =	simm.s32 $0x1C00;
	[sflag:s5] =	ssyncadd.s32 $0xFFFFC000  }
0x4f: {  	[tilespmem:s11], [sflag:$0x1] =	stream.indirect.gather [hbm4b:s9+s10], $0x10, s24, s10, $0xb8;
	[tilespmem:$0xB800] =	vst v63  }
0x50: {  	_ =	swait.ge [sflag:s12], $0x4000  }
0x51: {  	[sflag:s12] =	ssyncset.done $0x0  }
0x52: {  	s25 =	simm.s32 $0x4400;
	[sflag:s12] =	ssyncadd.s32 $0xFFFFC000  }
0x53: {  	[spmem:s2] =	stream.indirect.scatter.add.f32 [tilespmem:s11], [sflag:$0x2], $0x10, s25, s10, $0xb8;
	[tilespmem:$0xB800] =	vst v63  }
0x54: {  	_ =	swait.ge [sflag:s5], $0x4000  }
0x55: {  	[sflag:s5] =	ssyncset.done $0x0  }
0x56: {  	s26 =	simm.s32 $0x2000;
	[sflag:s5] =	ssyncadd.s32 $0xFFFFC000  }
0x57: {  	[tilespmem:s11], [sflag:$0x1] =	stream.indirect.gather [hbm4b:s9+s10], $0x10, s26, s10, $0xb8;
	[tilespmem:$0xB800] =	vst v63  }
0x58: {  	_ =	swait.ge [sflag:s12], $0x4000  }
0x59: {  	[sflag:s12] =	ssyncset.done $0x0  }
0x5a: {  	s28 =	simm.s32 $0x4800;
	[sflag:s12] =	ssyncadd.s32 $0xFFFFC000  }
0x5b: {  	[spmem:s2] =	stream.indirect.scatter.add.f32 [tilespmem:s11], [sflag:$0x2], $0x10, s28, s10, $0xb8;
	[tilespmem:$0xB800] =	vst v63  }
0x5c: {  	_ =	swait.ge [sflag:s5], $0x4000  }
0x5d: {  	[sflag:s5] =	ssyncset.done $0x0  }
0x5e: {  	s29 =	simm.s32 $0x2400;
	s1 =	ssub.s32 $0x2, s1;
	[sflag:s5] =	ssyncadd.s32 $0xFFFFC000  }
0x5f: {  	[tilespmem:s11], [sflag:$0x1] =	stream.indirect.gather [hbm4b:s9+s10], $0x10, s29, s10, $0xb8;
	[tilespmem:$0xB800] =	vst v63  }
0x60: {  	s0 =	sshrl.u32 s1, $0x1;
	_ =	swait.ge [sflag:s12], $0x4000  }
0x61: {  	s0 =	ssub.s32 s1, s0;
	[sflag:s12] =	ssyncset.done $0x0  }
0x62: {  	s30 =	simm.s32 $0x4C00;
	s0 =	smax.u32 s0, $0x1;
	[sflag:s12] =	ssyncadd.s32 $0xFFFFC000  }
0x63: {  	[spmem:s2] =	stream.indirect.scatter.add.f32 [tilespmem:s11], [sflag:$0x2], $0x10, s30, s10, $0xb8;
	[tilespmem:$0xB800] =	vst v63  }
0x64: {  	p0 =	sne.s32 s0, $0x1;
	_ =	swait.ge [sflag:s5], $0x4000  }
.Ltmp0:
0x65: {  	[sflag:s5] =	ssyncset.done $0x0;
	(pc) =	sbr.rel @!p0 .LBB2_2-.Ltmp0, $4  }
0x66: {  	[sflag:s5] =	ssyncadd.s32 $0xFFFFC000  }
0x67: {  	s31 =	sadd.s32 $0x1CC00, s31;
	[bflag:$0x0] =	sbarrier.arrive $0xFFFF  }
0x68: {  	[hbm:s31], [sflag:s4] =	dma.local [spmem:s6], $0x500  }
0x69: {  	s1 =	sadd.s32 $0xFFFFFFFF, s0;
	_ =	swait.ge [sflag:s5], $0x500  }
.LBB2_1:
0x6a: {  	[sflag:s5] =	ssyncset.done $0x0  }
0x6b: {  	s0 =	rddreg [dreg:$0x3];
	[sflag:s5] =	ssyncadd.s32 $0xFFFFFB00  }
0x6c: {  	[spmem:s6], [sflag:s4] =	dma.local [hbm:s0], $0x500  }
0x6d: {  	_ =	swait.ge [sflag:s5], $0x500  }
0x6e: {  	[sflag:s5] =	ssyncset.done $0x0  }
0x6f: {  	s0 =	rddreg [dreg:$0x4];
	[sflag:s5] =	ssyncadd.s32 $0xFFFFFB00  }
0x70: {  	[tilespmem:s3], [sflag:$0x2] =	stream.linear.gather [hbm4b:s0+s3], $0x2800, $0x38;
	[tilespmem:$0xB800] =	vst v63  }
0x71: {  	_ =	swait.ge [sflag:s5], $0x2800  }
0x72: {  	[sflag:s5] =	ssyncset.done $0x0  }
0x73: {  	[sflag:s5] =	ssyncadd.s32 $0xFFFFD800  }
0x74: {  	[tilespmem:s8], [sflag:$0x2] =	stream.linear.gather [hbm4b:s7+s3], $0x2800, $0x38;
	[tilespmem:$0xB800] =	vst v63  }
0x75: {  	_ =	swait.ge [sflag:s5], $0x2800  }
0x76: {  	[sflag:s5] =	ssyncset.done $0x0  }
0x77: {  	[sflag:s5] =	ssyncadd.s32 $0xFFFFD800  }
0x78: {  	[bflag:$0x0] =	sbarrier.arrive $0xFFFF  }
0x79: {  	[tilespmem:s11], [sflag:$0x1] =	stream.indirect.gather [hbm4b:s9+s10], $0x10, s3, s10, $0xb8;
	[tilespmem:$0xB800] =	vst v63  }
0x7a: {  	_ =	swait.ge [sflag:s12], $0x4000  }
0x7b: {  	[sflag:s12] =	ssyncset.done $0x0  }
0x7c: {  	[sflag:s12] =	ssyncadd.s32 $0xFFFFC000  }
0x7d: {  	[spmem:s2] =	stream.indirect.scatter.add.f32 [tilespmem:s11], [sflag:$0x2], $0x10, s8, s10, $0xb8;
	[tilespmem:$0xB800] =	vst v63  }
0x7e: {  	_ =	swait.ge [sflag:s5], $0x4000  }
0x7f: {  	[sflag:s5] =	ssyncset.done $0x0  }
0x80: {  	[sflag:s5] =	ssyncadd.s32 $0xFFFFC000  }
0x81: {  	[tilespmem:s11], [sflag:$0x1] =	stream.indirect.gather [hbm4b:s9+s10], $0x10, s10, s10, $0xb8;
	[tilespmem:$0xB800] =	vst v63  }
0x82: {  	_ =	swait.ge [sflag:s12], $0x4000  }
0x83: {  	[sflag:s12] =	ssyncset.done $0x0  }
0x84: {  	[sflag:s12] =	ssyncadd.s32 $0xFFFFC000  }
0x85: {  	[spmem:s2] =	stream.indirect.scatter.add.f32 [tilespmem:s11], [sflag:$0x2], $0x10, s13, s10, $0xb8;
	[tilespmem:$0xB800] =	vst v63  }
0x86: {  	_ =	swait.ge [sflag:s5], $0x4000  }
0x87: {  	[sflag:s5] =	ssyncset.done $0x0  }
0x88: {  	[sflag:s5] =	ssyncadd.s32 $0xFFFFC000  }
0x89: {  	[tilespmem:s11], [sflag:$0x1] =	stream.indirect.gather [hbm4b:s9+s10], $0x10, s14, s10, $0xb8;
	[tilespmem:$0xB800] =	vst v63  }
0x8a: {  	_ =	swait.ge [sflag:s12], $0x4000  }
0x8b: {  	[sflag:s12] =	ssyncset.done $0x0  }
0x8c: {  	[sflag:s12] =	ssyncadd.s32 $0xFFFFC000  }
0x8d: {  	[spmem:s2] =	stream.indirect.scatter.add.f32 [tilespmem:s11], [sflag:$0x2], $0x10, s15, s10, $0xb8;
	[tilespmem:$0xB800] =	vst v63  }
0x8e: {  	_ =	swait.ge [sflag:s5], $0x4000  }
0x8f: {  	[sflag:s5] =	ssyncset.done $0x0  }
0x90: {  	[sflag:s5] =	ssyncadd.s32 $0xFFFFC000  }
0x91: {  	[tilespmem:s11], [sflag:$0x1] =	stream.indirect.gather [hbm4b:s9+s10], $0x10, s16, s10, $0xb8;
	[tilespmem:$0xB800] =	vst v63  }
0x92: {  	_ =	swait.ge [sflag:s12], $0x4000  }
0x93: {  	[sflag:s12] =	ssyncset.done $0x0  }
0x94: {  	[sflag:s12] =	ssyncadd.s32 $0xFFFFC000  }
0x95: {  	[spmem:s2] =	stream.indirect.scatter.add.f32 [tilespmem:s11], [sflag:$0x2], $0x10, s17, s10, $0xb8;
	[tilespmem:$0xB800] =	vst v63  }
0x96: {  	_ =	swait.ge [sflag:s5], $0x4000  }
0x97: {  	[sflag:s5] =	ssyncset.done $0x0  }
0x98: {  	[sflag:s5] =	ssyncadd.s32 $0xFFFFC000  }
0x99: {  	[tilespmem:s11], [sflag:$0x1] =	stream.indirect.gather [hbm4b:s9+s10], $0x10, s18, s10, $0xb8;
	[tilespmem:$0xB800] =	vst v63  }
0x9a: {  	_ =	swait.ge [sflag:s12], $0x4000  }
0x9b: {  	[sflag:s12] =	ssyncset.done $0x0  }
0x9c: {  	[sflag:s12] =	ssyncadd.s32 $0xFFFFC000  }
0x9d: {  	[spmem:s2] =	stream.indirect.scatter.add.f32 [tilespmem:s11], [sflag:$0x2], $0x10, s19, s10, $0xb8;
	[tilespmem:$0xB800] =	vst v63  }
0x9e: {  	_ =	swait.ge [sflag:s5], $0x4000  }
0x9f: {  	[sflag:s5] =	ssyncset.done $0x0  }
0xa0: {  	[sflag:s5] =	ssyncadd.s32 $0xFFFFC000  }
0xa1: {  	[tilespmem:s11], [sflag:$0x1] =	stream.indirect.gather [hbm4b:s9+s10], $0x10, s20, s10, $0xb8;
	[tilespmem:$0xB800] =	vst v63  }
0xa2: {  	_ =	swait.ge [sflag:s12], $0x4000  }
0xa3: {  	[sflag:s12] =	ssyncset.done $0x0  }
0xa4: {  	[sflag:s12] =	ssyncadd.s32 $0xFFFFC000  }
0xa5: {  	[spmem:s2] =	stream.indirect.scatter.add.f32 [tilespmem:s11], [sflag:$0x2], $0x10, s21, s10, $0xb8;
	[tilespmem:$0xB800] =	vst v63  }
0xa6: {  	_ =	swait.ge [sflag:s5], $0x4000  }
0xa7: {  	[sflag:s5] =	ssyncset.done $0x0  }
0xa8: {  	[sflag:s5] =	ssyncadd.s32 $0xFFFFC000  }
0xa9: {  	[tilespmem:s11], [sflag:$0x1] =	stream.indirect.gather [hbm4b:s9+s10], $0x10, s22, s10, $0xb8;
	[tilespmem:$0xB800] =	vst v63  }
0xaa: {  	_ =	swait.ge [sflag:s12], $0x4000  }
0xab: {  	[sflag:s12] =	ssyncset.done $0x0  }
0xac: {  	[sflag:s12] =	ssyncadd.s32 $0xFFFFC000  }
0xad: {  	[spmem:s2] =	stream.indirect.scatter.add.f32 [tilespmem:s11], [sflag:$0x2], $0x10, s23, s10, $0xb8;
	[tilespmem:$0xB800] =	vst v63  }
0xae: {  	_ =	swait.ge [sflag:s5], $0x4000  }
0xaf: {  	[sflag:s5] =	ssyncset.done $0x0  }
0xb0: {  	[sflag:s5] =	ssyncadd.s32 $0xFFFFC000  }
0xb1: {  	[tilespmem:s11], [sflag:$0x1] =	stream.indirect.gather [hbm4b:s9+s10], $0x10, s24, s10, $0xb8;
	[tilespmem:$0xB800] =	vst v63  }
0xb2: {  	_ =	swait.ge [sflag:s12], $0x4000  }
0xb3: {  	[sflag:s12] =	ssyncset.done $0x0  }
0xb4: {  	[sflag:s12] =	ssyncadd.s32 $0xFFFFC000  }
0xb5: {  	[spmem:s2] =	stream.indirect.scatter.add.f32 [tilespmem:s11], [sflag:$0x2], $0x10, s25, s10, $0xb8;
	[tilespmem:$0xB800] =	vst v63  }
0xb6: {  	_ =	swait.ge [sflag:s5], $0x4000  }
0xb7: {  	[sflag:s5] =	ssyncset.done $0x0  }
0xb8: {  	[sflag:s5] =	ssyncadd.s32 $0xFFFFC000  }
0xb9: {  	[tilespmem:s11], [sflag:$0x1] =	stream.indirect.gather [hbm4b:s9+s10], $0x10, s26, s10, $0xb8;
	[tilespmem:$0xB800] =	vst v63  }
0xba: {  	_ =	swait.ge [sflag:s12], $0x4000  }
0xbb: {  	[sflag:s12] =	ssyncset.done $0x0  }
0xbc: {  	[sflag:s12] =	ssyncadd.s32 $0xFFFFC000  }
0xbd: {  	[spmem:s2] =	stream.indirect.scatter.add.f32 [tilespmem:s11], [sflag:$0x2], $0x10, s28, s10, $0xb8;
	[tilespmem:$0xB800] =	vst v63  }
0xbe: {  	_ =	swait.ge [sflag:s5], $0x4000  }
0xbf: {  	[sflag:s5] =	ssyncset.done $0x0  }
0xc0: {  	[sflag:s5] =	ssyncadd.s32 $0xFFFFC000  }
0xc1: {  	[tilespmem:s11], [sflag:$0x1] =	stream.indirect.gather [hbm4b:s9+s10], $0x10, s29, s10, $0xb8;
	[tilespmem:$0xB800] =	vst v63  }
0xc2: {  	_ =	swait.ge [sflag:s12], $0x4000  }
0xc3: {  	[sflag:s12] =	ssyncset.done $0x0  }
0xc4: {  	[sflag:s12] =	ssyncadd.s32 $0xFFFFC000  }
0xc5: {  	[spmem:s2] =	stream.indirect.scatter.add.f32 [tilespmem:s11], [sflag:$0x2], $0x10, s30, s10, $0xb8;
	[tilespmem:$0xB800] =	vst v63  }
0xc6: {  	p0 =	sne.s32 s1, $0x1;
	_ =	swait.ge [sflag:s5], $0x4000  }
.Ltmp1:
0xc7: {  	[sflag:s5] =	ssyncset.done $0x0;
	(pc) =	sbr.rel @p0 .LBB2_1-.Ltmp1, $4  }
0xc8: {  	[sflag:s5] =	ssyncadd.s32 $0xFFFFC000  }
0xc9: {  	[bflag:$0x0] =	sbarrier.arrive $0xFFFF  }
0xca: {  	[hbm:s31], [sflag:s4] =	dma.local [spmem:s6], $0x500  }
0xcb: {  	s1 =	sadd.s32 $0xFFFFFFFF, s1;
	_ =	swait.ge [sflag:s5], $0x500  }
.LBB2_2:
0xcc: {  	[sflag:s5] =	ssyncset.done $0x0  }
0xcd: {  	[sflag:s5] =	ssyncadd.s32 $0xFFFFFB00  }
0xce: {  	_ =	sfence.sel $0x180000  }
0xcf: {  	[bflag:$0x0] =	sbarrier.arrive $0xFFFF  }
0xd0: {  	_ =	strace $0x90000050  }
0xd1: {  	s0 =	stileid.u32;
	[bflag:$0x2] =	sbarrier.arrive $0xFFFF  }
0xd2: {  	p0 =	sne.s32 s0, $0x0;
	s0 =	rddreg [dreg:$0x2]  }
0xd3: {  	s0 =	sadd.s32 @!p0 $0x100000, s0  }
0xd4: {  	[sflag:s0] =	ssyncadd.tile.s32 @!p0 $0x1;
	_ =	shalt  }
.Lfunc_end2:
_tile_overlayer_lowered:
.L_overlay_start_2:
0xd5: {  	(tag) =	ssettag $0x2  }
0xd6: {  	s0 =	rddreg [dreg:$0x0];
	s2 =	stileid.u32  }
0xd7: {  	s1 =	rddreg [dreg:$0x1];
	p0 =	sne.s32 s2, $0x0  }
0xd8: {  	s3 =	rddreg [dreg:$0x2];
	[bflag:$0x3] =	sbarrier.arrive $0xFFFF;
	s2 =	simm.s32 @!p0 $0x1C02  }
0xd9: {  	[timem:s3], [sflag:s2] =	dma.local @!p0 [hbm:s0], s1  }
0xda: {  	s0 =	simm.s32 @!p0 $0x2  }
0xdb: {  	_ =	swait.ge @!p0 [sflag:s0], s1  }
0xdc: {  	s1 =	ssub.s32 @!p0 $0x0, s1;
	[sflag:s0] =	ssyncset.done @!p0 $0x0  }
0xdd: {  	[sflag:s0] =	ssyncadd.s32 @!p0 s1  }
0xde: {  	[bflag:$0x3] =	sbarrier.arrive $0xFFFF  }
0xdf: {  	_ =	shalt  }

</sc_bundles>
